<compile_context>
chip_gen: v7x
topology: tpu7x:2x2x1
jax: 0.10.2.dev20260603
libtpu: 0.0.44.dev20260713+nightly
codegen_flags: <defaults>
</compile_context>

<pallas_src>
import functools

import jax
import jax.numpy as jnp
from jax import lax
from jax.experimental import pallas as pl
from jax.experimental.pallas import tpu as pltpu
from jax.experimental.pallas import tpu_sc as plsc

DIM = 768
NUM_EXPERTS = 8
INTER = 2048
TOP_K = 2
T = 16
LANES = 16


def _lane_perm(v, perm):
    return v.at[perm].get(mode="promise_in_bounds")


def _butterfly(v, op):
    lane = lax.iota(jnp.int32, LANES)
    for k in (8, 4, 2, 1):
        v = op(v, _lane_perm(v, lane ^ k))
    return v


def _sc_router_body(scores_hbm, out_hbm, sv, cv):
    wid = lax.axis_index("s") + lax.axis_index("c") * 16

    @pl.when(wid < T)
    def _():
        t = wid
        pltpu.sync_copy(scores_hbm.at[t], sv)
        s = sv[...]
        lane = lax.iota(jnp.int32, LANES)
        validf = jnp.where(lane < NUM_EXPERTS, 1.0, 0.0)
        m = _butterfly(s * validf + (validf - 1.0) * 3.0e38, jnp.maximum)
        p = jnp.exp((s - m) * validf - 30.0 * (1.0 - validf)) * validf
        p = p / _butterfly(p, jnp.add)
        m1 = _butterfly(p, jnp.maximum)
        i1 = _butterfly(jnp.where(p == m1, lane, NUM_EXPERTS), jnp.minimum)
        oh1 = jnp.where(lane == i1, 1.0, 0.0)
        keep = (1.0 - oh1) * validf
        p_rest = p * keep - (1.0 - keep)
        m2 = _butterfly(p_rest, jnp.maximum)
        i2 = _butterfly(jnp.where(p_rest == m2, lane, NUM_EXPERTS),
                        jnp.minimum)
        oh2 = jnp.where(lane == i2, 1.0, 0.0)
        c = p * (oh1 + oh2)
        c = c / _butterfly(c, jnp.add)
        cv[...] = c
        pltpu.sync_copy(cv, out_hbm.at[t])


def _sc_router(scores):
    mesh = plsc.VectorSubcoreMesh(core_axis_name="c", subcore_axis_name="s",
                                  num_cores=1)
    fn = functools.partial(
        pl.kernel,
        mesh=mesh,
        out_type=jax.ShapeDtypeStruct((T, LANES), jnp.float32),
        scratch_types=[
            pltpu.VMEM((LANES,), jnp.float32),
            pltpu.VMEM((LANES,), jnp.float32),
        ],
    )(_sc_router_body)
    return fn(scores)


def _ffn_body(x_ref, gate_ref, w1_ref, w2_ref, w3_ref, out_ref, s_ref):
    e = pl.program_id(0)
    half = pl.program_id(1)
    xv = x_ref[...]
    dn = (((1,), (1,)), ((), ()))

    @pl.when(jnp.logical_and(e == 0, half == 0))
    def _scores():
        s_ref[...] = lax.dot_general(xv, gate_ref[...], dn,
                                     preferred_element_type=jnp.float32)

    h1 = lax.dot_general(xv, w1_ref[0, 0], dn,
                         preferred_element_type=jnp.float32)
    h3 = lax.dot_general(xv, w3_ref[0, 0], dn,
                         preferred_element_type=jnp.float32)
    h = h1 * lax.logistic(h1) * h3
    part = lax.dot_general(h, w2_ref[0], dn,
                           preferred_element_type=jnp.float32)

    @pl.when(half == 0)
    def _():
        out_ref[0] = part

    @pl.when(half == 1)
    def _():
        out_ref[0] += part


def _combine_body(outs_ref, c_ref, out_ref):
    eidx = lax.broadcasted_iota(jnp.int32, (T, LANES), 1)
    acc = jnp.zeros((T, DIM), jnp.float32)
    for e in range(NUM_EXPERTS):
        col = jnp.sum(jnp.where(eidx == e, c_ref[...], 0.0),
                      axis=-1, keepdims=True)
        acc = acc + col * outs_ref[e]
    out_ref[...] = acc


def kernel(x, gate_w, w1, w2, w3):
    original_shape = x.shape
    xf = x.reshape(-1, DIM)
    gate16 = jnp.concatenate(
        [gate_w, jnp.zeros((LANES - NUM_EXPERTS, DIM), gate_w.dtype)], axis=0)
    w1r = w1.reshape(NUM_EXPERTS, 2, INTER // 2, DIM)
    w3r = w3.reshape(NUM_EXPERTS, 2, INTER // 2, DIM)
    outs, scores = pl.pallas_call(
        _ffn_body,
        grid=(NUM_EXPERTS, 2),
        in_specs=[
            pl.BlockSpec((T, DIM), lambda e, h: (0, 0)),
            pl.BlockSpec((LANES, DIM), lambda e, h: (0, 0)),
            pl.BlockSpec((1, 1, INTER // 2, DIM), lambda e, h: (e, h, 0, 0)),
            pl.BlockSpec((1, DIM, INTER // 2), lambda e, h: (e, 0, h)),
            pl.BlockSpec((1, 1, INTER // 2, DIM), lambda e, h: (e, h, 0, 0)),
        ],
        out_specs=[
            pl.BlockSpec((1, T, DIM), lambda e, h: (e, 0, 0)),
            pl.BlockSpec((T, LANES), lambda e, h: (0, 0)),
        ],
        out_shape=[
            jax.ShapeDtypeStruct((NUM_EXPERTS, T, DIM), jnp.float32),
            jax.ShapeDtypeStruct((T, LANES), jnp.float32),
        ],
    )(xf, gate16, w1r, w2, w3r)
    combine = _sc_router(scores)
    out = pl.pallas_call(
        _combine_body,
        out_shape=jax.ShapeDtypeStruct((T, DIM), jnp.float32),
    )(outs, combine)
    return out.reshape(original_shape)

# --- scband reference (transcript-rebuilt; emitter-appended) ---
"""Pipeline reference for scband-moefeed-forward-63376537420020 (READ-ONLY COPY).

The authoritative reference and input builder live on the scoring server;
editing this copy changes nothing except your own understanding.
"""

import jax, jax.numpy as jnp
import numpy as np

DIM = 768
NUM_EXPERTS = 8
INTER = 2048
TOP_K = 2
T = 16


def setup_inputs(seed: int = 0) -> dict:
    key = jax.random.key(seed)
    k_x, k_gate, k_w1, k_w2, k_w3 = jax.random.split(key, 5)
    x = jax.random.normal(k_x, (T, DIM), dtype=jnp.float32)
    gate_w = jax.random.normal(k_gate, (NUM_EXPERTS, DIM), dtype=jnp.float32) * 0.02
    w1 = jax.random.normal(k_w1, (NUM_EXPERTS, INTER, DIM), dtype=jnp.float32) * 0.02
    w2 = jax.random.normal(k_w2, (NUM_EXPERTS, DIM, INTER), dtype=jnp.float32) * 0.02
    w3 = jax.random.normal(k_w3, (NUM_EXPERTS, INTER, DIM), dtype=jnp.float32) * 0.02
    return {"x": x, "gate_w": gate_w, "w1": w1, "w2": w2, "w3": w3}


def reference(x, gate_w, w1, w2, w3):
    original_shape = x.shape
    xf = x.reshape(-1, DIM)
    # gate: nn.Linear(dim, num_experts, bias=False) -> x @ W^T
    scores = xf @ gate_w.T  # [T, E]
    expert_weights = jax.nn.softmax(scores.astype(jnp.float32), axis=-1)
    expert_weights, expert_indices = jax.lax.top_k(expert_weights, TOP_K)  # [T, a]
    expert_weights = expert_weights / jnp.sum(expert_weights, axis=-1, keepdims=True)
    expert_weights = expert_weights.astype(xf.dtype)
    # conditional feed-forward: gather per-token expert weights
    w1_weights = jnp.take(w1, expert_indices, axis=0)  # [T, a, inter, dim]
    w3_weights = jnp.take(w3, expert_indices, axis=0)  # [T, a, inter, dim]
    w2_weights = jnp.take(w2, expert_indices, axis=0)  # [T, a, dim, inter]
    x1 = jax.nn.silu(jnp.einsum('ti,taoi->tao', xf, w1_weights))
    x3 = jnp.einsum('ti,taoi->tao', xf, w3_weights)
    expert_outs = jnp.einsum('tao,taio->tai', x1 * x3, w2_weights)
    result = jnp.einsum('tai,ta->ti', expert_outs, expert_weights)
    return result.reshape(original_shape)

if __name__ == "__main__":
    import jax
    _d = setup_inputs()
    print(jax.jit(kernel)(*tuple(_d.values())))

</pallas_src>

<mosaic_0001>
#map = affine_map<(d0, d1) -> (0, 0)>
module attributes {stable_mosaic.version = 14 : i64} {
  func.func @_sc_router_body(%arg0: i32, %arg1: i32, %arg2: memref<16x16xf32, #tpu.memory_space<hbm>>, %arg3: memref<16x16xf32, #tpu.memory_space<hbm>>, %arg4: memref<16xf32, #tpu.memory_space<vmem>>, %arg5: memref<16xf32, #tpu.memory_space<vmem>>) attributes {dimension_semantics = [#tpu.dimension_semantics<core_parallel>, #tpu.dimension_semantics<subcore_parallel>], iteration_bounds = array<i64: 1, 16>, scalar_prefetch = 0 : i64, scratch_operands = 2 : i64, tpu.core_type = #tpu.core_type<sc_vector_subcore>, window_params = [{transform_indices = #map}, {transform_indices = #map}]} {
    %mul3A = arith.constant 16 : i32
    %mul3A_0 = arith.muli %arg0, %mul3A : i32
    %add3A = arith.addi %arg1, %mul3A_0 : i32
    %lt3A = arith.constant 16 : i32
    %lt3A_1 = arith.cmpi slt, %add3A, %lt3A : i32
    %convert_element_type3A = arith.extui %lt3A_1 : i1 to i32
    %cond3A = arith.constant 0 : i32
    %cond3A_2 = arith.cmpi ne, %convert_element_type3A, %cond3A : i32
    scf.if %cond3A_2 {
      "tpu.region"() ({
        %run_scoped3A = tpu.sem_alloc : memref<!tpu.dma_semaphore, #tpu.memory_space<semaphore_mem>>
        %dma_start3A = arith.constant 0 : i32
        %dma_start3A_456 = tpu.memref_slice %arg2[%add3A, %dma_start3A] : memref<16x16xf32, #tpu.memory_space<hbm>> -> memref<1x16xf32, #tpu.memory_space<hbm>>
        %dma_start3A_457 = tpu.memref_squeeze %dma_start3A_456 : memref<1x16xf32, #tpu.memory_space<hbm>> -> memref<16xf32, #tpu.memory_space<hbm>>
        %dma_start3A_458 = arith.constant 0 : i32
        %dma_start3A_459 = tpu.memref_slice %arg2[%add3A, %dma_start3A_458] : memref<16x16xf32, #tpu.memory_space<hbm>> -> memref<1x16xf32, #tpu.memory_space<hbm>>
        %dma_start3A_460 = tpu.memref_squeeze %dma_start3A_459 : memref<1x16xf32, #tpu.memory_space<hbm>> -> memref<16xf32, #tpu.memory_space<hbm>>
        tpu.enqueue_dma source(%dma_start3A_460 : memref<16xf32, #tpu.memory_space<hbm>>) target(%arg4 : memref<16xf32, #tpu.memory_space<vmem>>) target_semaphore(%run_scoped3A : memref<!tpu.dma_semaphore, #tpu.memory_space<semaphore_mem>>)
        %dma_wait3A = arith.constant 0 : i32
        %dma_wait3A_461 = tpu.memref_slice %arg2[%add3A, %dma_wait3A] : memref<16x16xf32, #tpu.memory_space<hbm>> -> memref<1x16xf32, #tpu.memory_space<hbm>>
        %dma_wait3A_462 = tpu.memref_squeeze %dma_wait3A_461 : memref<1x16xf32, #tpu.memory_space<hbm>> -> memref<16xf32, #tpu.memory_space<hbm>>
        %dma_wait3A_463 = arith.constant 0 : i32
        %dma_wait3A_464 = tpu.memref_slice %arg2[%add3A, %dma_wait3A_463] : memref<16x16xf32, #tpu.memory_space<hbm>> -> memref<1x16xf32, #tpu.memory_space<hbm>>
        %dma_wait3A_465 = tpu.memref_squeeze %dma_wait3A_464 : memref<1x16xf32, #tpu.memory_space<hbm>> -> memref<16xf32, #tpu.memory_space<hbm>>
        tpu.wait_dma2 semaphore(%run_scoped3A : memref<!tpu.dma_semaphore, #tpu.memory_space<semaphore_mem>>) src(%dma_wait3A_465 : memref<16xf32, #tpu.memory_space<hbm>>) dst(%arg4 : memref<16xf32, #tpu.memory_space<vmem>>)
        tpu.yield
      }) : () -> ()
      %get3A = arith.constant 0 : index
      %get3A_3 = tpu.vector_load %arg4[%get3A] {strides = array<i32>} : memref<16xf32, #tpu.memory_space<vmem>>, vector<16xf32>,
      %get3A_4 = vector.shape_cast %get3A_3 : vector<16xf32> to vector<16xf32>
      %iota3A = tpu.iota {dimensions = array<i32: 0>} : vector<16xi32>
      %lt3A_5 = arith.constant 8 : i32
      %lt3A_6 = vector.broadcast %lt3A_5 : i32 to vector<16xi32>
      %lt3A_7 = arith.cmpi slt, %iota3A, %lt3A_6 : vector<16xi32>
      %jit3A = arith.constant 1.000000e+00 : f32
      %jit3A_8 = arith.constant 0.000000e+00 : f32
      %broadcast_in_dim3A = vector.broadcast %jit3A : f32 to vector<16xf32>
      %broadcast_in_dim3A_9 = vector.broadcast %jit3A_8 : f32 to vector<16xf32>
      %select_n3A = arith.select %lt3A_7, %broadcast_in_dim3A, %broadcast_in_dim3A_9 : vector<16xi1>, vector<16xf32>
      %mul3A_10 = arith.mulf %get3A_4, %select_n3A : vector<16xf32>
      %sub3A = arith.constant 1.000000e+00 : f32
      %sub3A_11 = vector.broadcast %sub3A : f32 to vector<16xf32>
      %sub3A_12 = arith.subf %select_n3A, %sub3A_11 : vector<16xf32>
      %mul3A_13 = arith.constant 3.000000e+38 : f32
      %mul3A_14 = vector.broadcast %mul3A_13 : f32 to vector<16xf32>
      %mul3A_15 = arith.mulf %sub3A_12, %mul3A_14 : vector<16xf32>
      %add3A_16 = arith.addf %mul3A_10, %mul3A_15 : vector<16xf32>
      %iota3A_17 = tpu.iota {dimensions = array<i32: 0>} : vector<16xi32>
      %xor3A = arith.constant 8 : i32
      %xor3A_18 = vector.broadcast %xor3A : i32 to vector<16xi32>
      %xor3A_19 = arith.xori %iota3A_17, %xor3A_18 : vector<16xi32>
      %lt3A_20 = arith.constant 0 : i32
      %lt3A_21 = vector.broadcast %lt3A_20 : i32 to vector<16xi32>
      %lt3A_22 = arith.cmpi slt, %xor3A_19, %lt3A_21 : vector<16xi32>
      %add3A_23 = arith.constant 16 : i32
      %add3A_24 = vector.broadcast %add3A_23 : i32 to vector<16xi32>
      %add3A_25 = arith.addi %xor3A_19, %add3A_24 : vector<16xi32>
      %select_n3A_26 = arith.select %lt3A_22, %add3A_25, %xor3A_19 : vector<16xi1>, vector<16xi32>
      %broadcast_in_dim3A_27 = vector.shape_cast %select_n3A_26 : vector<16xi32> to vector<16x1xi32>
      %gather3A = vector.shape_cast %broadcast_in_dim3A_27 : vector<16x1xi32> to vector<16xi32>
      %gather3A_28 = tpu.dynamic_gather %add3A_16[%gather3A] in [0] : vector<16xf32>, vector<16xi32> -> vector<16xf32>
      %max3A = arith.maximumf %add3A_16, %gather3A_28 : vector<16xf32>
      %xor3A_29 = arith.constant 4 : i32
      %xor3A_30 = vector.broadcast %xor3A_29 : i32 to vector<16xi32>
      %xor3A_31 = arith.xori %iota3A_17, %xor3A_30 : vector<16xi32>
      %lt3A_32 = arith.constant 0 : i32
      %lt3A_33 = vector.broadcast %lt3A_32 : i32 to vector<16xi32>
      %lt3A_34 = arith.cmpi slt, %xor3A_31, %lt3A_33 : vector<16xi32>
      %add3A_35 = arith.constant 16 : i32
      %add3A_36 = vector.broadcast %add3A_35 : i32 to vector<16xi32>
      %add3A_37 = arith.addi %xor3A_31, %add3A_36 : vector<16xi32>
      %select_n3A_38 = arith.select %lt3A_34, %add3A_37, %xor3A_31 : vector<16xi1>, vector<16xi32>
      %broadcast_in_dim3A_39 = vector.shape_cast %select_n3A_38 : vector<16xi32> to vector<16x1xi32>
      %gather3A_40 = vector.shape_cast %broadcast_in_dim3A_39 : vector<16x1xi32> to vector<16xi32>
      %gather3A_41 = tpu.dynamic_gather %max3A[%gather3A_40] in [0] : vector<16xf32>, vector<16xi32> -> vector<16xf32>
      %max3A_42 = arith.maximumf %max3A, %gather3A_41 : vector<16xf32>
      %xor3A_43 = arith.constant 2 : i32
      %xor3A_44 = vector.broadcast %xor3A_43 : i32 to vector<16xi32>
      %xor3A_45 = arith.xori %iota3A_17, %xor3A_44 : vector<16xi32>
      %lt3A_46 = arith.constant 0 : i32
      %lt3A_47 = vector.broadcast %lt3A_46 : i32 to vector<16xi32>
      %lt3A_48 = arith.cmpi slt, %xor3A_45, %lt3A_47 : vector<16xi32>
      %add3A_49 = arith.constant 16 : i32
      %add3A_50 = vector.broadcast %add3A_49 : i32 to vector<16xi32>
      %add3A_51 = arith.addi %xor3A_45, %add3A_50 : vector<16xi32>
      %select_n3A_52 = arith.select %lt3A_48, %add3A_51, %xor3A_45 : vector<16xi1>, vector<16xi32>
      %broadcast_in_dim3A_53 = vector.shape_cast %select_n3A_52 : vector<16xi32> to vector<16x1xi32>
      %gather3A_54 = vector.shape_cast %broadcast_in_dim3A_53 : vector<16x1xi32> to vector<16xi32>
      %gather3A_55 = tpu.dynamic_gather %max3A_42[%gather3A_54] in [0] : vector<16xf32>, vector<16xi32> -> vector<16xf32>
      %max3A_56 = arith.maximumf %max3A_42, %gather3A_55 : vector<16xf32>
      %xor3A_57 = arith.constant 1 : i32
      %xor3A_58 = vector.broadcast %xor3A_57 : i32 to vector<16xi32>
      %xor3A_59 = arith.xori %iota3A_17, %xor3A_58 : vector<16xi32>
      %lt3A_60 = arith.constant 0 : i32
      %lt3A_61 = vector.broadcast %lt3A_60 : i32 to vector<16xi32>
      %lt3A_62 = arith.cmpi slt, %xor3A_59, %lt3A_61 : vector<16xi32>
      %add3A_63 = arith.constant 16 : i32
      %add3A_64 = vector.broadcast %add3A_63 : i32 to vector<16xi32>
      %add3A_65 = arith.addi %xor3A_59, %add3A_64 : vector<16xi32>
      %select_n3A_66 = arith.select %lt3A_62, %add3A_65, %xor3A_59 : vector<16xi1>, vector<16xi32>
      %broadcast_in_dim3A_67 = vector.shape_cast %select_n3A_66 : vector<16xi32> to vector<16x1xi32>
      %gather3A_68 = vector.shape_cast %broadcast_in_dim3A_67 : vector<16x1xi32> to vector<16xi32>
      %gather3A_69 = tpu.dynamic_gather %max3A_56[%gather3A_68] in [0] : vector<16xf32>, vector<16xi32> -> vector<16xf32>
      %max3A_70 = arith.maximumf %max3A_56, %gather3A_69 : vector<16xf32>
      %sub3A_71 = arith.subf %get3A_4, %max3A_70 : vector<16xf32>
      %mul3A_72 = arith.mulf %sub3A_71, %select_n3A : vector<16xf32>
      %sub3A_73 = arith.constant 1.000000e+00 : f32
      %sub3A_74 = vector.broadcast %sub3A_73 : f32 to vector<16xf32>
      %sub3A_75 = arith.subf %sub3A_74, %select_n3A : vector<16xf32>
      %mul3A_76 = arith.constant 3.000000e+01 : f32
      %mul3A_77 = vector.broadcast %mul3A_76 : f32 to vector<16xf32>
      %mul3A_78 = arith.mulf %mul3A_77, %sub3A_75 : vector<16xf32>
      %sub3A_79 = arith.subf %mul3A_72, %mul3A_78 : vector<16xf32>
      %exp3A = math.exp %sub3A_79 : vector<16xf32>
      %mul3A_80 = arith.mulf %exp3A, %select_n3A : vector<16xf32>
      %iota3A_81 = tpu.iota {dimensions = array<i32: 0>} : vector<16xi32>
      %xor3A_82 = arith.constant 8 : i32
      %xor3A_83 = vector.broadcast %xor3A_82 : i32 to vector<16xi32>
      %xor3A_84 = arith.xori %iota3A_81, %xor3A_83 : vector<16xi32>
      %lt3A_85 = arith.constant 0 : i32
      %lt3A_86 = vector.broadcast %lt3A_85 : i32 to vector<16xi32>
      %lt3A_87 = arith.cmpi slt, %xor3A_84, %lt3A_86 : vector<16xi32>
      %add3A_88 = arith.constant 16 : i32
      %add3A_89 = vector.broadcast %add3A_88 : i32 to vector<16xi32>
      %add3A_90 = arith.addi %xor3A_84, %add3A_89 : vector<16xi32>
      %select_n3A_91 = arith.select %lt3A_87, %add3A_90, %xor3A_84 : vector<16xi1>, vector<16xi32>
      %broadcast_in_dim3A_92 = vector.shape_cast %select_n3A_91 : vector<16xi32> to vector<16x1xi32>
      %gather3A_93 = vector.shape_cast %broadcast_in_dim3A_92 : vector<16x1xi32> to vector<16xi32>
      %gather3A_94 = tpu.dynamic_gather %mul3A_80[%gather3A_93] in [0] : vector<16xf32>, vector<16xi32> -> vector<16xf32>
      %add3A_95 = arith.addf %mul3A_80, %gather3A_94 : vector<16xf32>
      %xor3A_96 = arith.constant 4 : i32
      %xor3A_97 = vector.broadcast %xor3A_96 : i32 to vector<16xi32>
      %xor3A_98 = arith.xori %iota3A_81, %xor3A_97 : vector<16xi32>
      %lt3A_99 = arith.constant 0 : i32
      %lt3A_100 = vector.broadcast %lt3A_99 : i32 to vector<16xi32>
      %lt3A_101 = arith.cmpi slt, %xor3A_98, %lt3A_100 : vector<16xi32>
      %add3A_102 = arith.constant 16 : i32
      %add3A_103 = vector.broadcast %add3A_102 : i32 to vector<16xi32>
      %add3A_104 = arith.addi %xor3A_98, %add3A_103 : vector<16xi32>
      %select_n3A_105 = arith.select %lt3A_101, %add3A_104, %xor3A_98 : vector<16xi1>, vector<16xi32>
      %broadcast_in_dim3A_106 = vector.shape_cast %select_n3A_105 : vector<16xi32> to vector<16x1xi32>
      %gather3A_107 = vector.shape_cast %broadcast_in_dim3A_106 : vector<16x1xi32> to vector<16xi32>
      %gather3A_108 = tpu.dynamic_gather %add3A_95[%gather3A_107] in [0] : vector<16xf32>, vector<16xi32> -> vector<16xf32>
      %add3A_109 = arith.addf %add3A_95, %gather3A_108 : vector<16xf32>
      %xor3A_110 = arith.constant 2 : i32
      %xor3A_111 = vector.broadcast %xor3A_110 : i32 to vector<16xi32>
      %xor3A_112 = arith.xori %iota3A_81, %xor3A_111 : vector<16xi32>
      %lt3A_113 = arith.constant 0 : i32
      %lt3A_114 = vector.broadcast %lt3A_113 : i32 to vector<16xi32>
      %lt3A_115 = arith.cmpi slt, %xor3A_112, %lt3A_114 : vector<16xi32>
      %add3A_116 = arith.constant 16 : i32
      %add3A_117 = vector.broadcast %add3A_116 : i32 to vector<16xi32>
      %add3A_118 = arith.addi %xor3A_112, %add3A_117 : vector<16xi32>
      %select_n3A_119 = arith.select %lt3A_115, %add3A_118, %xor3A_112 : vector<16xi1>, vector<16xi32>
      %broadcast_in_dim3A_120 = vector.shape_cast %select_n3A_119 : vector<16xi32> to vector<16x1xi32>
      %gather3A_121 = vector.shape_cast %broadcast_in_dim3A_120 : vector<16x1xi32> to vector<16xi32>
      %gather3A_122 = tpu.dynamic_gather %add3A_109[%gather3A_121] in [0] : vector<16xf32>, vector<16xi32> -> vector<16xf32>
      %add3A_123 = arith.addf %add3A_109, %gather3A_122 : vector<16xf32>
      %xor3A_124 = arith.constant 1 : i32
      %xor3A_125 = vector.broadcast %xor3A_124 : i32 to vector<16xi32>
      %xor3A_126 = arith.xori %iota3A_81, %xor3A_125 : vector<16xi32>
      %lt3A_127 = arith.constant 0 : i32
      %lt3A_128 = vector.broadcast %lt3A_127 : i32 to vector<16xi32>
      %lt3A_129 = arith.cmpi slt, %xor3A_126, %lt3A_128 : vector<16xi32>
      %add3A_130 = arith.constant 16 : i32
      %add3A_131 = vector.broadcast %add3A_130 : i32 to vector<16xi32>
      %add3A_132 = arith.addi %xor3A_126, %add3A_131 : vector<16xi32>
      %select_n3A_133 = arith.select %lt3A_129, %add3A_132, %xor3A_126 : vector<16xi1>, vector<16xi32>
      %broadcast_in_dim3A_134 = vector.shape_cast %select_n3A_133 : vector<16xi32> to vector<16x1xi32>
      %gather3A_135 = vector.shape_cast %broadcast_in_dim3A_134 : vector<16x1xi32> to vector<16xi32>
      %gather3A_136 = tpu.dynamic_gather %add3A_123[%gather3A_135] in [0] : vector<16xf32>, vector<16xi32> -> vector<16xf32>
      %add3A_137 = arith.addf %add3A_123, %gather3A_136 : vector<16xf32>
      %div3A = arith.divf %mul3A_80, %add3A_137 : vector<16xf32>
      %iota3A_138 = tpu.iota {dimensions = array<i32: 0>} : vector<16xi32>
      %xor3A_139 = arith.constant 8 : i32
      %xor3A_140 = vector.broadcast %xor3A_139 : i32 to vector<16xi32>
      %xor3A_141 = arith.xori %iota3A_138, %xor3A_140 : vector<16xi32>
      %lt3A_142 = arith.constant 0 : i32
      %lt3A_143 = vector.broadcast %lt3A_142 : i32 to vector<16xi32>
      %lt3A_144 = arith.cmpi slt, %xor3A_141, %lt3A_143 : vector<16xi32>
      %add3A_145 = arith.constant 16 : i32
      %add3A_146 = vector.broadcast %add3A_145 : i32 to vector<16xi32>
      %add3A_147 = arith.addi %xor3A_141, %add3A_146 : vector<16xi32>
      %select_n3A_148 = arith.select %lt3A_144, %add3A_147, %xor3A_141 : vector<16xi1>, vector<16xi32>
      %broadcast_in_dim3A_149 = vector.shape_cast %select_n3A_148 : vector<16xi32> to vector<16x1xi32>
      %gather3A_150 = vector.shape_cast %broadcast_in_dim3A_149 : vector<16x1xi32> to vector<16xi32>
      %gather3A_151 = tpu.dynamic_gather %div3A[%gather3A_150] in [0] : vector<16xf32>, vector<16xi32> -> vector<16xf32>
      %max3A_152 = arith.maximumf %div3A, %gather3A_151 : vector<16xf32>
      %xor3A_153 = arith.constant 4 : i32
      %xor3A_154 = vector.broadcast %xor3A_153 : i32 to vector<16xi32>
      %xor3A_155 = arith.xori %iota3A_138, %xor3A_154 : vector<16xi32>
      %lt3A_156 = arith.constant 0 : i32
      %lt3A_157 = vector.broadcast %lt3A_156 : i32 to vector<16xi32>
      %lt3A_158 = arith.cmpi slt, %xor3A_155, %lt3A_157 : vector<16xi32>
      %add3A_159 = arith.constant 16 : i32
      %add3A_160 = vector.broadcast %add3A_159 : i32 to vector<16xi32>
      %add3A_161 = arith.addi %xor3A_155, %add3A_160 : vector<16xi32>
      %select_n3A_162 = arith.select %lt3A_158, %add3A_161, %xor3A_155 : vector<16xi1>, vector<16xi32>
      %broadcast_in_dim3A_163 = vector.shape_cast %select_n3A_162 : vector<16xi32> to vector<16x1xi32>
      %gather3A_164 = vector.shape_cast %broadcast_in_dim3A_163 : vector<16x1xi32> to vector<16xi32>
      %gather3A_165 = tpu.dynamic_gather %max3A_152[%gather3A_164] in [0] : vector<16xf32>, vector<16xi32> -> vector<16xf32>
      %max3A_166 = arith.maximumf %max3A_152, %gather3A_165 : vector<16xf32>
      %xor3A_167 = arith.constant 2 : i32
      %xor3A_168 = vector.broadcast %xor3A_167 : i32 to vector<16xi32>
      %xor3A_169 = arith.xori %iota3A_138, %xor3A_168 : vector<16xi32>
      %lt3A_170 = arith.constant 0 : i32
      %lt3A_171 = vector.broadcast %lt3A_170 : i32 to vector<16xi32>
      %lt3A_172 = arith.cmpi slt, %xor3A_169, %lt3A_171 : vector<16xi32>
      %add3A_173 = arith.constant 16 : i32
      %add3A_174 = vector.broadcast %add3A_173 : i32 to vector<16xi32>
      %add3A_175 = arith.addi %xor3A_169, %add3A_174 : vector<16xi32>
      %select_n3A_176 = arith.select %lt3A_172, %add3A_175, %xor3A_169 : vector<16xi1>, vector<16xi32>
      %broadcast_in_dim3A_177 = vector.shape_cast %select_n3A_176 : vector<16xi32> to vector<16x1xi32>
      %gather3A_178 = vector.shape_cast %broadcast_in_dim3A_177 : vector<16x1xi32> to vector<16xi32>
      %gather3A_179 = tpu.dynamic_gather %max3A_166[%gather3A_178] in [0] : vector<16xf32>, vector<16xi32> -> vector<16xf32>
      %max3A_180 = arith.maximumf %max3A_166, %gather3A_179 : vector<16xf32>
      %xor3A_181 = arith.constant 1 : i32
      %xor3A_182 = vector.broadcast %xor3A_181 : i32 to vector<16xi32>
      %xor3A_183 = arith.xori %iota3A_138, %xor3A_182 : vector<16xi32>
      %lt3A_184 = arith.constant 0 : i32
      %lt3A_185 = vector.broadcast %lt3A_184 : i32 to vector<16xi32>
      %lt3A_186 = arith.cmpi slt, %xor3A_183, %lt3A_185 : vector<16xi32>
      %add3A_187 = arith.constant 16 : i32
      %add3A_188 = vector.broadcast %add3A_187 : i32 to vector<16xi32>
      %add3A_189 = arith.addi %xor3A_183, %add3A_188 : vector<16xi32>
      %select_n3A_190 = arith.select %lt3A_186, %add3A_189, %xor3A_183 : vector<16xi1>, vector<16xi32>
      %broadcast_in_dim3A_191 = vector.shape_cast %select_n3A_190 : vector<16xi32> to vector<16x1xi32>
      %gather3A_192 = vector.shape_cast %broadcast_in_dim3A_191 : vector<16x1xi32> to vector<16xi32>
      %gather3A_193 = tpu.dynamic_gather %max3A_180[%gather3A_192] in [0] : vector<16xf32>, vector<16xi32> -> vector<16xf32>
      %max3A_194 = arith.maximumf %max3A_180, %gather3A_193 : vector<16xf32>
      %eq3A = arith.cmpf oeq, %div3A, %max3A_194 : vector<16xf32>
      %jit3A_195 = arith.constant 8 : i32
      %broadcast_in_dim3A_196 = vector.broadcast %jit3A_195 : i32 to vector<16xi32>
      %select_n3A_197 = arith.select %eq3A, %iota3A, %broadcast_in_dim3A_196 : vector<16xi1>, vector<16xi32>
      %iota3A_198 = tpu.iota {dimensions = array<i32: 0>} : vector<16xi32>
      %xor3A_199 = arith.constant 8 : i32
      %xor3A_200 = vector.broadcast %xor3A_199 : i32 to vector<16xi32>
      %xor3A_201 = arith.xori %iota3A_198, %xor3A_200 : vector<16xi32>
      %lt3A_202 = arith.constant 0 : i32
      %lt3A_203 = vector.broadcast %lt3A_202 : i32 to vector<16xi32>
      %lt3A_204 = arith.cmpi slt, %xor3A_201, %lt3A_203 : vector<16xi32>
      %add3A_205 = arith.constant 16 : i32
      %add3A_206 = vector.broadcast %add3A_205 : i32 to vector<16xi32>
      %add3A_207 = arith.addi %xor3A_201, %add3A_206 : vector<16xi32>
      %select_n3A_208 = arith.select %lt3A_204, %add3A_207, %xor3A_201 : vector<16xi1>, vector<16xi32>
      %broadcast_in_dim3A_209 = vector.shape_cast %select_n3A_208 : vector<16xi32> to vector<16x1xi32>
      %gather3A_210 = vector.shape_cast %broadcast_in_dim3A_209 : vector<16x1xi32> to vector<16xi32>
      %gather3A_211 = tpu.dynamic_gather %select_n3A_197[%gather3A_210] in [0] : vector<16xi32>, vector<16xi32> -> vector<16xi32>
      %min3A = arith.minsi %select_n3A_197, %gather3A_211 : vector<16xi32>
      %xor3A_212 = arith.constant 4 : i32
      %xor3A_213 = vector.broadcast %xor3A_212 : i32 to vector<16xi32>
      %xor3A_214 = arith.xori %iota3A_198, %xor3A_213 : vector<16xi32>
      %lt3A_215 = arith.constant 0 : i32
      %lt3A_216 = vector.broadcast %lt3A_215 : i32 to vector<16xi32>
      %lt3A_217 = arith.cmpi slt, %xor3A_214, %lt3A_216 : vector<16xi32>
      %add3A_218 = arith.constant 16 : i32
      %add3A_219 = vector.broadcast %add3A_218 : i32 to vector<16xi32>
      %add3A_220 = arith.addi %xor3A_214, %add3A_219 : vector<16xi32>
      %select_n3A_221 = arith.select %lt3A_217, %add3A_220, %xor3A_214 : vector<16xi1>, vector<16xi32>
      %broadcast_in_dim3A_222 = vector.shape_cast %select_n3A_221 : vector<16xi32> to vector<16x1xi32>
      %gather3A_223 = vector.shape_cast %broadcast_in_dim3A_222 : vector<16x1xi32> to vector<16xi32>
      %gather3A_224 = tpu.dynamic_gather %min3A[%gather3A_223] in [0] : vector<16xi32>, vector<16xi32> -> vector<16xi32>
      %min3A_225 = arith.minsi %min3A, %gather3A_224 : vector<16xi32>
      %xor3A_226 = arith.constant 2 : i32
      %xor3A_227 = vector.broadcast %xor3A_226 : i32 to vector<16xi32>
      %xor3A_228 = arith.xori %iota3A_198, %xor3A_227 : vector<16xi32>
      %lt3A_229 = arith.constant 0 : i32
      %lt3A_230 = vector.broadcast %lt3A_229 : i32 to vector<16xi32>
      %lt3A_231 = arith.cmpi slt, %xor3A_228, %lt3A_230 : vector<16xi32>
      %add3A_232 = arith.constant 16 : i32
      %add3A_233 = vector.broadcast %add3A_232 : i32 to vector<16xi32>
      %add3A_234 = arith.addi %xor3A_228, %add3A_233 : vector<16xi32>
      %select_n3A_235 = arith.select %lt3A_231, %add3A_234, %xor3A_228 : vector<16xi1>, vector<16xi32>
      %broadcast_in_dim3A_236 = vector.shape_cast %select_n3A_235 : vector<16xi32> to vector<16x1xi32>
      %gather3A_237 = vector.shape_cast %broadcast_in_dim3A_236 : vector<16x1xi32> to vector<16xi32>
      %gather3A_238 = tpu.dynamic_gather %min3A_225[%gather3A_237] in [0] : vector<16xi32>, vector<16xi32> -> vector<16xi32>
      %min3A_239 = arith.minsi %min3A_225, %gather3A_238 : vector<16xi32>
      %xor3A_240 = arith.constant 1 : i32
      %xor3A_241 = vector.broadcast %xor3A_240 : i32 to vector<16xi32>
      %xor3A_242 = arith.xori %iota3A_198, %xor3A_241 : vector<16xi32>
      %lt3A_243 = arith.constant 0 : i32
      %lt3A_244 = vector.broadcast %lt3A_243 : i32 to vector<16xi32>
      %lt3A_245 = arith.cmpi slt, %xor3A_242, %lt3A_244 : vector<16xi32>
      %add3A_246 = arith.constant 16 : i32
      %add3A_247 = vector.broadcast %add3A_246 : i32 to vector<16xi32>
      %add3A_248 = arith.addi %xor3A_242, %add3A_247 : vector<16xi32>
      %select_n3A_249 = arith.select %lt3A_245, %add3A_248, %xor3A_242 : vector<16xi1>, vector<16xi32>
      %broadcast_in_dim3A_250 = vector.shape_cast %select_n3A_249 : vector<16xi32> to vector<16x1xi32>
      %gather3A_251 = vector.shape_cast %broadcast_in_dim3A_250 : vector<16x1xi32> to vector<16xi32>
      %gather3A_252 = tpu.dynamic_gather %min3A_239[%gather3A_251] in [0] : vector<16xi32>, vector<16xi32> -> vector<16xi32>
      %min3A_253 = arith.minsi %min3A_239, %gather3A_252 : vector<16xi32>
      %eq3A_254 = arith.cmpi eq, %iota3A, %min3A_253 : vector<16xi32>
      %jit3A_255 = arith.constant 1.000000e+00 : f32
      %jit3A_256 = arith.constant 0.000000e+00 : f32
      %broadcast_in_dim3A_257 = vector.broadcast %jit3A_255 : f32 to vector<16xf32>
      %broadcast_in_dim3A_258 = vector.broadcast %jit3A_256 : f32 to vector<16xf32>
      %select_n3A_259 = arith.select %eq3A_254, %broadcast_in_dim3A_257, %broadcast_in_dim3A_258 : vector<16xi1>, vector<16xf32>
      %sub3A_260 = arith.constant 1.000000e+00 : f32
      %sub3A_261 = vector.broadcast %sub3A_260 : f32 to vector<16xf32>
      %sub3A_262 = arith.subf %sub3A_261, %select_n3A_259 : vector<16xf32>
      %mul3A_263 = arith.mulf %sub3A_262, %select_n3A : vector<16xf32>
      %mul3A_264 = arith.mulf %div3A, %mul3A_263 : vector<16xf32>
      %sub3A_265 = arith.constant 1.000000e+00 : f32
      %sub3A_266 = vector.broadcast %sub3A_265 : f32 to vector<16xf32>
      %sub3A_267 = arith.subf %sub3A_266, %mul3A_263 : vector<16xf32>
      %sub3A_268 = arith.subf %mul3A_264, %sub3A_267 : vector<16xf32>
      %iota3A_269 = tpu.iota {dimensions = array<i32: 0>} : vector<16xi32>
      %xor3A_270 = arith.constant 8 : i32
      %xor3A_271 = vector.broadcast %xor3A_270 : i32 to vector<16xi32>
      %xor3A_272 = arith.xori %iota3A_269, %xor3A_271 : vector<16xi32>
      %lt3A_273 = arith.constant 0 : i32
      %lt3A_274 = vector.broadcast %lt3A_273 : i32 to vector<16xi32>
      %lt3A_275 = arith.cmpi slt, %xor3A_272, %lt3A_274 : vector<16xi32>
      %add3A_276 = arith.constant 16 : i32
      %add3A_277 = vector.broadcast %add3A_276 : i32 to vector<16xi32>
      %add3A_278 = arith.addi %xor3A_272, %add3A_277 : vector<16xi32>
      %select_n3A_279 = arith.select %lt3A_275, %add3A_278, %xor3A_272 : vector<16xi1>, vector<16xi32>
      %broadcast_in_dim3A_280 = vector.shape_cast %select_n3A_279 : vector<16xi32> to vector<16x1xi32>
      %gather3A_281 = vector.shape_cast %broadcast_in_dim3A_280 : vector<16x1xi32> to vector<16xi32>
      %gather3A_282 = tpu.dynamic_gather %sub3A_268[%gather3A_281] in [0] : vector<16xf32>, vector<16xi32> -> vector<16xf32>
      %max3A_283 = arith.maximumf %sub3A_268, %gather3A_282 : vector<16xf32>
      %xor3A_284 = arith.constant 4 : i32
      %xor3A_285 = vector.broadcast %xor3A_284 : i32 to vector<16xi32>
      %xor3A_286 = arith.xori %iota3A_269, %xor3A_285 : vector<16xi32>
      %lt3A_287 = arith.constant 0 : i32
      %lt3A_288 = vector.broadcast %lt3A_287 : i32 to vector<16xi32>
      %lt3A_289 = arith.cmpi slt, %xor3A_286, %lt3A_288 : vector<16xi32>
      %add3A_290 = arith.constant 16 : i32
      %add3A_291 = vector.broadcast %add3A_290 : i32 to vector<16xi32>
      %add3A_292 = arith.addi %xor3A_286, %add3A_291 : vector<16xi32>
      %select_n3A_293 = arith.select %lt3A_289, %add3A_292, %xor3A_286 : vector<16xi1>, vector<16xi32>
      %broadcast_in_dim3A_294 = vector.shape_cast %select_n3A_293 : vector<16xi32> to vector<16x1xi32>
      %gather3A_295 = vector.shape_cast %broadcast_in_dim3A_294 : vector<16x1xi32> to vector<16xi32>
      %gather3A_296 = tpu.dynamic_gather %max3A_283[%gather3A_295] in [0] : vector<16xf32>, vector<16xi32> -> vector<16xf32>
      %max3A_297 = arith.maximumf %max3A_283, %gather3A_296 : vector<16xf32>
      %xor3A_298 = arith.constant 2 : i32
      %xor3A_299 = vector.broadcast %xor3A_298 : i32 to vector<16xi32>
      %xor3A_300 = arith.xori %iota3A_269, %xor3A_299 : vector<16xi32>
      %lt3A_301 = arith.constant 0 : i32
      %lt3A_302 = vector.broadcast %lt3A_301 : i32 to vector<16xi32>
      %lt3A_303 = arith.cmpi slt, %xor3A_300, %lt3A_302 : vector<16xi32>
      %add3A_304 = arith.constant 16 : i32
      %add3A_305 = vector.broadcast %add3A_304 : i32 to vector<16xi32>
      %add3A_306 = arith.addi %xor3A_300, %add3A_305 : vector<16xi32>
      %select_n3A_307 = arith.select %lt3A_303, %add3A_306, %xor3A_300 : vector<16xi1>, vector<16xi32>
      %broadcast_in_dim3A_308 = vector.shape_cast %select_n3A_307 : vector<16xi32> to vector<16x1xi32>
      %gather3A_309 = vector.shape_cast %broadcast_in_dim3A_308 : vector<16x1xi32> to vector<16xi32>
      %gather3A_310 = tpu.dynamic_gather %max3A_297[%gather3A_309] in [0] : vector<16xf32>, vector<16xi32> -> vector<16xf32>
      %max3A_311 = arith.maximumf %max3A_297, %gather3A_310 : vector<16xf32>
      %xor3A_312 = arith.constant 1 : i32
      %xor3A_313 = vector.broadcast %xor3A_312 : i32 to vector<16xi32>
      %xor3A_314 = arith.xori %iota3A_269, %xor3A_313 : vector<16xi32>
      %lt3A_315 = arith.constant 0 : i32
      %lt3A_316 = vector.broadcast %lt3A_315 : i32 to vector<16xi32>
      %lt3A_317 = arith.cmpi slt, %xor3A_314, %lt3A_316 : vector<16xi32>
      %add3A_318 = arith.constant 16 : i32
      %add3A_319 = vector.broadcast %add3A_318 : i32 to vector<16xi32>
      %add3A_320 = arith.addi %xor3A_314, %add3A_319 : vector<16xi32>
      %select_n3A_321 = arith.select %lt3A_317, %add3A_320, %xor3A_314 : vector<16xi1>, vector<16xi32>
      %broadcast_in_dim3A_322 = vector.shape_cast %select_n3A_321 : vector<16xi32> to vector<16x1xi32>
      %gather3A_323 = vector.shape_cast %broadcast_in_dim3A_322 : vector<16x1xi32> to vector<16xi32>
      %gather3A_324 = tpu.dynamic_gather %max3A_311[%gather3A_323] in [0] : vector<16xf32>, vector<16xi32> -> vector<16xf32>
      %max3A_325 = arith.maximumf %max3A_311, %gather3A_324 : vector<16xf32>
      %eq3A_326 = arith.cmpf oeq, %sub3A_268, %max3A_325 : vector<16xf32>
      %jit3A_327 = arith.constant 8 : i32
      %broadcast_in_dim3A_328 = vector.broadcast %jit3A_327 : i32 to vector<16xi32>
      %select_n3A_329 = arith.select %eq3A_326, %iota3A, %broadcast_in_dim3A_328 : vector<16xi1>, vector<16xi32>
      %iota3A_330 = tpu.iota {dimensions = array<i32: 0>} : vector<16xi32>
      %xor3A_331 = arith.constant 8 : i32
      %xor3A_332 = vector.broadcast %xor3A_331 : i32 to vector<16xi32>
      %xor3A_333 = arith.xori %iota3A_330, %xor3A_332 : vector<16xi32>
      %lt3A_334 = arith.constant 0 : i32
      %lt3A_335 = vector.broadcast %lt3A_334 : i32 to vector<16xi32>
      %lt3A_336 = arith.cmpi slt, %xor3A_333, %lt3A_335 : vector<16xi32>
      %add3A_337 = arith.constant 16 : i32
      %add3A_338 = vector.broadcast %add3A_337 : i32 to vector<16xi32>
      %add3A_339 = arith.addi %xor3A_333, %add3A_338 : vector<16xi32>
      %select_n3A_340 = arith.select %lt3A_336, %add3A_339, %xor3A_333 : vector<16xi1>, vector<16xi32>
      %broadcast_in_dim3A_341 = vector.shape_cast %select_n3A_340 : vector<16xi32> to vector<16x1xi32>
      %gather3A_342 = vector.shape_cast %broadcast_in_dim3A_341 : vector<16x1xi32> to vector<16xi32>
      %gather3A_343 = tpu.dynamic_gather %select_n3A_329[%gather3A_342] in [0] : vector<16xi32>, vector<16xi32> -> vector<16xi32>
      %min3A_344 = arith.minsi %select_n3A_329, %gather3A_343 : vector<16xi32>
      %xor3A_345 = arith.constant 4 : i32
      %xor3A_346 = vector.broadcast %xor3A_345 : i32 to vector<16xi32>
      %xor3A_347 = arith.xori %iota3A_330, %xor3A_346 : vector<16xi32>
      %lt3A_348 = arith.constant 0 : i32
      %lt3A_349 = vector.broadcast %lt3A_348 : i32 to vector<16xi32>
      %lt3A_350 = arith.cmpi slt, %xor3A_347, %lt3A_349 : vector<16xi32>
      %add3A_351 = arith.constant 16 : i32
      %add3A_352 = vector.broadcast %add3A_351 : i32 to vector<16xi32>
      %add3A_353 = arith.addi %xor3A_347, %add3A_352 : vector<16xi32>
      %select_n3A_354 = arith.select %lt3A_350, %add3A_353, %xor3A_347 : vector<16xi1>, vector<16xi32>
      %broadcast_in_dim3A_355 = vector.shape_cast %select_n3A_354 : vector<16xi32> to vector<16x1xi32>
      %gather3A_356 = vector.shape_cast %broadcast_in_dim3A_355 : vector<16x1xi32> to vector<16xi32>
      %gather3A_357 = tpu.dynamic_gather %min3A_344[%gather3A_356] in [0] : vector<16xi32>, vector<16xi32> -> vector<16xi32>
      %min3A_358 = arith.minsi %min3A_344, %gather3A_357 : vector<16xi32>
      %xor3A_359 = arith.constant 2 : i32
      %xor3A_360 = vector.broadcast %xor3A_359 : i32 to vector<16xi32>
      %xor3A_361 = arith.xori %iota3A_330, %xor3A_360 : vector<16xi32>
      %lt3A_362 = arith.constant 0 : i32
      %lt3A_363 = vector.broadcast %lt3A_362 : i32 to vector<16xi32>
      %lt3A_364 = arith.cmpi slt, %xor3A_361, %lt3A_363 : vector<16xi32>
      %add3A_365 = arith.constant 16 : i32
      %add3A_366 = vector.broadcast %add3A_365 : i32 to vector<16xi32>
      %add3A_367 = arith.addi %xor3A_361, %add3A_366 : vector<16xi32>
      %select_n3A_368 = arith.select %lt3A_364, %add3A_367, %xor3A_361 : vector<16xi1>, vector<16xi32>
      %broadcast_in_dim3A_369 = vector.shape_cast %select_n3A_368 : vector<16xi32> to vector<16x1xi32>
      %gather3A_370 = vector.shape_cast %broadcast_in_dim3A_369 : vector<16x1xi32> to vector<16xi32>
      %gather3A_371 = tpu.dynamic_gather %min3A_358[%gather3A_370] in [0] : vector<16xi32>, vector<16xi32> -> vector<16xi32>
      %min3A_372 = arith.minsi %min3A_358, %gather3A_371 : vector<16xi32>
      %xor3A_373 = arith.constant 1 : i32
      %xor3A_374 = vector.broadcast %xor3A_373 : i32 to vector<16xi32>
      %xor3A_375 = arith.xori %iota3A_330, %xor3A_374 : vector<16xi32>
      %lt3A_376 = arith.constant 0 : i32
      %lt3A_377 = vector.broadcast %lt3A_376 : i32 to vector<16xi32>
      %lt3A_378 = arith.cmpi slt, %xor3A_375, %lt3A_377 : vector<16xi32>
      %add3A_379 = arith.constant 16 : i32
      %add3A_380 = vector.broadcast %add3A_379 : i32 to vector<16xi32>
      %add3A_381 = arith.addi %xor3A_375, %add3A_380 : vector<16xi32>
      %select_n3A_382 = arith.select %lt3A_378, %add3A_381, %xor3A_375 : vector<16xi1>, vector<16xi32>
      %broadcast_in_dim3A_383 = vector.shape_cast %select_n3A_382 : vector<16xi32> to vector<16x1xi32>
      %gather3A_384 = vector.shape_cast %broadcast_in_dim3A_383 : vector<16x1xi32> to vector<16xi32>
      %gather3A_385 = tpu.dynamic_gather %min3A_372[%gather3A_384] in [0] : vector<16xi32>, vector<16xi32> -> vector<16xi32>
      %min3A_386 = arith.minsi %min3A_372, %gather3A_385 : vector<16xi32>
      %eq3A_387 = arith.cmpi eq, %iota3A, %min3A_386 : vector<16xi32>
      %jit3A_388 = arith.constant 1.000000e+00 : f32
      %jit3A_389 = arith.constant 0.000000e+00 : f32
      %broadcast_in_dim3A_390 = vector.broadcast %jit3A_388 : f32 to vector<16xf32>
      %broadcast_in_dim3A_391 = vector.broadcast %jit3A_389 : f32 to vector<16xf32>
      %select_n3A_392 = arith.select %eq3A_387, %broadcast_in_dim3A_390, %broadcast_in_dim3A_391 : vector<16xi1>, vector<16xf32>
      %add3A_393 = arith.addf %select_n3A_259, %select_n3A_392 : vector<16xf32>
      %mul3A_394 = arith.mulf %div3A, %add3A_393 : vector<16xf32>
      %iota3A_395 = tpu.iota {dimensions = array<i32: 0>} : vector<16xi32>
      %xor3A_396 = arith.constant 8 : i32
      %xor3A_397 = vector.broadcast %xor3A_396 : i32 to vector<16xi32>
      %xor3A_398 = arith.xori %iota3A_395, %xor3A_397 : vector<16xi32>
      %lt3A_399 = arith.constant 0 : i32
      %lt3A_400 = vector.broadcast %lt3A_399 : i32 to vector<16xi32>
      %lt3A_401 = arith.cmpi slt, %xor3A_398, %lt3A_400 : vector<16xi32>
      %add3A_402 = arith.constant 16 : i32
      %add3A_403 = vector.broadcast %add3A_402 : i32 to vector<16xi32>
      %add3A_404 = arith.addi %xor3A_398, %add3A_403 : vector<16xi32>
      %select_n3A_405 = arith.select %lt3A_401, %add3A_404, %xor3A_398 : vector<16xi1>, vector<16xi32>
      %broadcast_in_dim3A_406 = vector.shape_cast %select_n3A_405 : vector<16xi32> to vector<16x1xi32>
      %gather3A_407 = vector.shape_cast %broadcast_in_dim3A_406 : vector<16x1xi32> to vector<16xi32>
      %gather3A_408 = tpu.dynamic_gather %mul3A_394[%gather3A_407] in [0] : vector<16xf32>, vector<16xi32> -> vector<16xf32>
      %add3A_409 = arith.addf %mul3A_394, %gather3A_408 : vector<16xf32>
      %xor3A_410 = arith.constant 4 : i32
      %xor3A_411 = vector.broadcast %xor3A_410 : i32 to vector<16xi32>
      %xor3A_412 = arith.xori %iota3A_395, %xor3A_411 : vector<16xi32>
      %lt3A_413 = arith.constant 0 : i32
      %lt3A_414 = vector.broadcast %lt3A_413 : i32 to vector<16xi32>
      %lt3A_415 = arith.cmpi slt, %xor3A_412, %lt3A_414 : vector<16xi32>
      %add3A_416 = arith.constant 16 : i32
      %add3A_417 = vector.broadcast %add3A_416 : i32 to vector<16xi32>
      %add3A_418 = arith.addi %xor3A_412, %add3A_417 : vector<16xi32>
      %select_n3A_419 = arith.select %lt3A_415, %add3A_418, %xor3A_412 : vector<16xi1>, vector<16xi32>
      %broadcast_in_dim3A_420 = vector.shape_cast %select_n3A_419 : vector<16xi32> to vector<16x1xi32>
      %gather3A_421 = vector.shape_cast %broadcast_in_dim3A_420 : vector<16x1xi32> to vector<16xi32>
      %gather3A_422 = tpu.dynamic_gather %add3A_409[%gather3A_421] in [0] : vector<16xf32>, vector<16xi32> -> vector<16xf32>
      %add3A_423 = arith.addf %add3A_409, %gather3A_422 : vector<16xf32>
      %xor3A_424 = arith.constant 2 : i32
      %xor3A_425 = vector.broadcast %xor3A_424 : i32 to vector<16xi32>
      %xor3A_426 = arith.xori %iota3A_395, %xor3A_425 : vector<16xi32>
      %lt3A_427 = arith.constant 0 : i32
      %lt3A_428 = vector.broadcast %lt3A_427 : i32 to vector<16xi32>
      %lt3A_429 = arith.cmpi slt, %xor3A_426, %lt3A_428 : vector<16xi32>
      %add3A_430 = arith.constant 16 : i32
      %add3A_431 = vector.broadcast %add3A_430 : i32 to vector<16xi32>
      %add3A_432 = arith.addi %xor3A_426, %add3A_431 : vector<16xi32>
      %select_n3A_433 = arith.select %lt3A_429, %add3A_432, %xor3A_426 : vector<16xi1>, vector<16xi32>
      %broadcast_in_dim3A_434 = vector.shape_cast %select_n3A_433 : vector<16xi32> to vector<16x1xi32>
      %gather3A_435 = vector.shape_cast %broadcast_in_dim3A_434 : vector<16x1xi32> to vector<16xi32>
      %gather3A_436 = tpu.dynamic_gather %add3A_423[%gather3A_435] in [0] : vector<16xf32>, vector<16xi32> -> vector<16xf32>
      %add3A_437 = arith.addf %add3A_423, %gather3A_436 : vector<16xf32>
      %xor3A_438 = arith.constant 1 : i32
      %xor3A_439 = vector.broadcast %xor3A_438 : i32 to vector<16xi32>
      %xor3A_440 = arith.xori %iota3A_395, %xor3A_439 : vector<16xi32>
      %lt3A_441 = arith.constant 0 : i32
      %lt3A_442 = vector.broadcast %lt3A_441 : i32 to vector<16xi32>
      %lt3A_443 = arith.cmpi slt, %xor3A_440, %lt3A_442 : vector<16xi32>
      %add3A_444 = arith.constant 16 : i32
      %add3A_445 = vector.broadcast %add3A_444 : i32 to vector<16xi32>
      %add3A_446 = arith.addi %xor3A_440, %add3A_445 : vector<16xi32>
      %select_n3A_447 = arith.select %lt3A_443, %add3A_446, %xor3A_440 : vector<16xi1>, vector<16xi32>
      %broadcast_in_dim3A_448 = vector.shape_cast %select_n3A_447 : vector<16xi32> to vector<16x1xi32>
      %gather3A_449 = vector.shape_cast %broadcast_in_dim3A_448 : vector<16x1xi32> to vector<16xi32>
      %gather3A_450 = tpu.dynamic_gather %add3A_437[%gather3A_449] in [0] : vector<16xf32>, vector<16xi32> -> vector<16xf32>
      %add3A_451 = arith.addf %add3A_437, %gather3A_450 : vector<16xf32>
      %div3A_452 = arith.divf %mul3A_394, %add3A_451 : vector<16xf32>
      %swap3A = arith.constant 0 : index
      %swap3A_453 = tpu.vector_load %arg5[%swap3A] {strides = array<i32>} : memref<16xf32, #tpu.memory_space<vmem>>, vector<16xf32>,
      %swap3A_454 = vector.shape_cast %swap3A_453 : vector<16xf32> to vector<16xf32>
      %swap3A_455 = vector.shape_cast %div3A_452 : vector<16xf32> to vector<16xf32>
      tpu.vector_store %arg5[%swap3A], %swap3A_455 {strides = array<i32>} : memref<16xf32, #tpu.memory_space<vmem>>, vector<16xf32>,
      "tpu.region"() ({
        %run_scoped3A = tpu.sem_alloc : memref<!tpu.dma_semaphore, #tpu.memory_space<semaphore_mem>>
        %dma_start3A = arith.constant 0 : i32
        %dma_start3A_456 = tpu.memref_slice %arg3[%add3A, %dma_start3A] : memref<16x16xf32, #tpu.memory_space<hbm>> -> memref<1x16xf32, #tpu.memory_space<hbm>>
        %dma_start3A_457 = tpu.memref_squeeze %dma_start3A_456 : memref<1x16xf32, #tpu.memory_space<hbm>> -> memref<16xf32, #tpu.memory_space<hbm>>
        %dma_start3A_458 = arith.constant 0 : i32
        %dma_start3A_459 = tpu.memref_slice %arg3[%add3A, %dma_start3A_458] : memref<16x16xf32, #tpu.memory_space<hbm>> -> memref<1x16xf32, #tpu.memory_space<hbm>>
        %dma_start3A_460 = tpu.memref_squeeze %dma_start3A_459 : memref<1x16xf32, #tpu.memory_space<hbm>> -> memref<16xf32, #tpu.memory_space<hbm>>
        tpu.enqueue_dma source(%arg5 : memref<16xf32, #tpu.memory_space<vmem>>) target(%dma_start3A_460 : memref<16xf32, #tpu.memory_space<hbm>>) target_semaphore(%run_scoped3A : memref<!tpu.dma_semaphore, #tpu.memory_space<semaphore_mem>>)
        %dma_wait3A = arith.constant 0 : i32
        %dma_wait3A_461 = tpu.memref_slice %arg3[%add3A, %dma_wait3A] : memref<16x16xf32, #tpu.memory_space<hbm>> -> memref<1x16xf32, #tpu.memory_space<hbm>>
        %dma_wait3A_462 = tpu.memref_squeeze %dma_wait3A_461 : memref<1x16xf32, #tpu.memory_space<hbm>> -> memref<16xf32, #tpu.memory_space<hbm>>
        %dma_wait3A_463 = arith.constant 0 : i32
        %dma_wait3A_464 = tpu.memref_slice %arg3[%add3A, %dma_wait3A_463] : memref<16x16xf32, #tpu.memory_space<hbm>> -> memref<1x16xf32, #tpu.memory_space<hbm>>
        %dma_wait3A_465 = tpu.memref_squeeze %dma_wait3A_464 : memref<1x16xf32, #tpu.memory_space<hbm>> -> memref<16xf32, #tpu.memory_space<hbm>>
        tpu.wait_dma2 semaphore(%run_scoped3A : memref<!tpu.dma_semaphore, #tpu.memory_space<semaphore_mem>>) src(%arg5 : memref<16xf32, #tpu.memory_space<vmem>>) dst(%dma_wait3A_465 : memref<16xf32, #tpu.memory_space<hbm>>)
        tpu.yield
      }) : () -> ()
    } else {
    }
    return
  }
}

module attributes {stable_mosaic.version = 14 : i64} {
  func.func @_ffn_body(%arg0: i32, %arg1: i32, %arg2: memref<16x768xf32, #tpu.memory_space<vmem>>, %arg3: memref<16x768xf32, #tpu.memory_space<vmem>>, %arg4: memref<1x1x1024x768xf32, #tpu.memory_space<vmem>>, %arg5: memref<1x768x1024xf32, #tpu.memory_space<vmem>>, %arg6: memref<1x1x1024x768xf32, #tpu.memory_space<vmem>>, %arg7: memref<1x16x768xf32, #tpu.memory_space<vmem>>, %arg8: memref<16x16xf32, #tpu.memory_space<vmem>>) attributes {dimension_semantics = [#tpu.dimension_semantics<arbitrary>, #tpu.dimension_semantics<arbitrary>], iteration_bounds = array<i64: 8, 2>, scalar_prefetch = 0 : i64, scratch_operands = 0 : i64, tpu.core_type = #tpu.core_type<tc>, window_params = [{pipeline_mode = #tpu.pipeline_mode<synchronous>, transform_indices = @transform_0, window_bounds = array<i64: 16, 768>}, {pipeline_mode = #tpu.pipeline_mode<synchronous>, transform_indices = @transform_1, window_bounds = array<i64: 16, 768>}, {transform_indices = @transform_2, window_bounds = array<i64: 1, 1, 1024, 768>}, {transform_indices = @transform_3, window_bounds = array<i64: 1, 768, 1024>}, {transform_indices = @transform_4, window_bounds = array<i64: 1, 1, 1024, 768>}, {transform_indices = @transform_5, window_bounds = array<i64: 1, 16, 768>}, {pipeline_mode = #tpu.pipeline_mode<synchronous>, transform_indices = @transform_6, window_bounds = array<i64: 16, 16>}]} {
    %get3A = arith.constant 0 : index
    %get3A_0 = arith.constant 0 : index
    %get3A_1 = vector.load %arg2[%get3A, %get3A_0] : memref<16x768xf32, #tpu.memory_space<vmem>>, vector<16x768xf32>
    %eq3A = arith.constant 0 : i32
    %eq3A_2 = arith.cmpi eq, %arg0, %eq3A : i32
    %eq3A_3 = arith.constant 0 : i32
    %eq3A_4 = arith.cmpi eq, %arg1, %eq3A_3 : i32
    %and3A = arith.andi %eq3A_2, %eq3A_4 : i1
    %convert_element_type3A = arith.extui %and3A : i1 to i32
    %cond3A = arith.constant 0 : i32
    %cond3A_5 = arith.cmpi ne, %convert_element_type3A, %cond3A : i32
    scf.if %cond3A_5 {
      %get3A_44 = arith.constant 0 : index
      %get3A_45 = arith.constant 0 : index
      %get3A_46 = vector.load %arg3[%get3A_44, %get3A_45] : memref<16x768xf32, #tpu.memory_space<vmem>>, vector<16x768xf32>
      %dot_general3A_47 = arith.constant dense<0.000000e+00> : vector<16x16xf32>
      %dot_general3A_48 = tpu.matmul %get3A_1, %get3A_46, %dot_general3A_47 {dimension_numbers = #tpu.dot_dimension_numbers<[1], [1], [0], [0], [0, 0, 1, 0], [], []>, transpose_lhs_hint = false} : vector<16x768xf32>, vector<16x768xf32>, vector<16x16xf32> -> vector<16x16xf32>
      %swap3A = arith.constant 0 : index
      %swap3A_49 = arith.constant 0 : index
      %swap3A_50 = vector.load %arg8[%swap3A, %swap3A_49] : memref<16x16xf32, #tpu.memory_space<vmem>>, vector<16x16xf32>
      tpu.vector_store %arg8[%swap3A, %swap3A_49], %dot_general3A_48 {strides = array<i32>} : memref<16x16xf32, #tpu.memory_space<vmem>>, vector<16x16xf32>,
    } else {
    }
    %get3A_6 = arith.constant 0 : index
    %get3A_7 = arith.constant 0 : index
    %get3A_8 = arith.constant 0 : index
    %get3A_9 = arith.constant 0 : index
    %get3A_10 = vector.load %arg4[%get3A_6, %get3A_7, %get3A_8, %get3A_9] : memref<1x1x1024x768xf32, #tpu.memory_space<vmem>>, vector<1x1x1024x768xf32>
    %get3A_11 = vector.shape_cast %get3A_10 : vector<1x1x1024x768xf32> to vector<1024x768xf32>
    %dot_general3A = arith.constant dense<0.000000e+00> : vector<16x1024xf32>
    %dot_general3A_12 = tpu.matmul %get3A_1, %get3A_11, %dot_general3A {dimension_numbers = #tpu.dot_dimension_numbers<[1], [1], [0], [0], [0, 0, 1, 0], [], []>, transpose_lhs_hint = false} : vector<16x768xf32>, vector<1024x768xf32>, vector<16x1024xf32> -> vector<16x1024xf32>
    %get3A_13 = arith.constant 0 : index
    %get3A_14 = arith.constant 0 : index
    %get3A_15 = arith.constant 0 : index
    %get3A_16 = arith.constant 0 : index
    %get3A_17 = vector.load %arg6[%get3A_13, %get3A_14, %get3A_15, %get3A_16] : memref<1x1x1024x768xf32, #tpu.memory_space<vmem>>, vector<1x1x1024x768xf32>
    %get3A_18 = vector.shape_cast %get3A_17 : vector<1x1x1024x768xf32> to vector<1024x768xf32>
    %dot_general3A_19 = arith.constant dense<0.000000e+00> : vector<16x1024xf32>
    %dot_general3A_20 = tpu.matmul %get3A_1, %get3A_18, %dot_general3A_19 {dimension_numbers = #tpu.dot_dimension_numbers<[1], [1], [0], [0], [0, 0, 1, 0], [], []>, transpose_lhs_hint = false} : vector<16x768xf32>, vector<1024x768xf32>, vector<16x1024xf32> -> vector<16x1024xf32>
    %logistic3A = arith.negf %dot_general3A_12 : vector<16x1024xf32>
    %logistic3A_21 = math.exp %logistic3A : vector<16x1024xf32>
    %logistic3A_22 = arith.constant 1.000000e+00 : f32
    %logistic3A_23 = vector.broadcast %logistic3A_22 : f32 to vector<16x1024xf32>
    %logistic3A_24 = arith.addf %logistic3A_23, %logistic3A_21 : vector<16x1024xf32>
    %logistic3A_25 = arith.divf %logistic3A_23, %logistic3A_24 : vector<16x1024xf32>
    %mul3A = arith.mulf %dot_general3A_12, %logistic3A_25 : vector<16x1024xf32>
    %mul3A_26 = arith.mulf %mul3A, %dot_general3A_20 : vector<16x1024xf32>
    %get3A_27 = arith.constant 0 : index
    %get3A_28 = arith.constant 0 : index
    %get3A_29 = arith.constant 0 : index
    %get3A_30 = vector.load %arg5[%get3A_27, %get3A_28, %get3A_29] : memref<1x768x1024xf32, #tpu.memory_space<vmem>>, vector<1x768x1024xf32>
    %get3A_31 = vector.shape_cast %get3A_30 : vector<1x768x1024xf32> to vector<768x1024xf32>
    %dot_general3A_32 = arith.constant dense<0.000000e+00> : vector<16x768xf32>
    %dot_general3A_33 = tpu.matmul %mul3A_26, %get3A_31, %dot_general3A_32 {dimension_numbers = #tpu.dot_dimension_numbers<[1], [1], [0], [0], [0, 0, 1, 0], [], []>, transpose_lhs_hint = false} : vector<16x1024xf32>, vector<768x1024xf32>, vector<16x768xf32> -> vector<16x768xf32>
    %eq3A_34 = arith.constant 0 : i32
    %eq3A_35 = arith.cmpi eq, %arg1, %eq3A_34 : i32
    %convert_element_type3A_36 = arith.extui %eq3A_35 : i1 to i32
    %cond3A_37 = arith.constant 0 : i32
    %cond3A_38 = arith.cmpi ne, %convert_element_type3A_36, %cond3A_37 : i32
    scf.if %cond3A_38 {
      %swap3A = arith.constant 0 : index
      %swap3A_44 = arith.constant 0 : index
      %swap3A_45 = arith.constant 0 : index
      %swap3A_46 = vector.load %arg7[%swap3A, %swap3A_44, %swap3A_45] : memref<1x16x768xf32, #tpu.memory_space<vmem>>, vector<1x16x768xf32>
      %swap3A_47 = vector.shape_cast %swap3A_46 : vector<1x16x768xf32> to vector<16x768xf32>
      %swap3A_48 = vector.shape_cast %dot_general3A_33 : vector<16x768xf32> to vector<1x16x768xf32>
      tpu.vector_store %arg7[%swap3A, %swap3A_44, %swap3A_45], %swap3A_48 {strides = array<i32>} : memref<1x16x768xf32, #tpu.memory_space<vmem>>, vector<1x16x768xf32>,
    } else {
    }
    %eq3A_39 = arith.constant 1 : i32
    %eq3A_40 = arith.cmpi eq, %arg1, %eq3A_39 : i32
    %convert_element_type3A_41 = arith.extui %eq3A_40 : i1 to i32
    %cond3A_42 = arith.constant 0 : i32
    %cond3A_43 = arith.cmpi ne, %convert_element_type3A_41, %cond3A_42 : i32
    scf.if %cond3A_43 {
      %get3A_44 = arith.constant 0 : index
      %get3A_45 = arith.constant 0 : index
      %get3A_46 = arith.constant 0 : index
      %get3A_47 = vector.load %arg7[%get3A_44, %get3A_45, %get3A_46] : memref<1x16x768xf32, #tpu.memory_space<vmem>>, vector<1x16x768xf32>
      %get3A_48 = vector.shape_cast %get3A_47 : vector<1x16x768xf32> to vector<16x768xf32>
      %add3A = arith.addf %get3A_48, %dot_general3A_33 : vector<16x768xf32>
      %swap3A = arith.constant 0 : index
      %swap3A_49 = arith.constant 0 : index
      %swap3A_50 = arith.constant 0 : index
      %swap3A_51 = vector.load %arg7[%swap3A, %swap3A_49, %swap3A_50] : memref<1x16x768xf32, #tpu.memory_space<vmem>>, vector<1x16x768xf32>
      %swap3A_52 = vector.shape_cast %swap3A_51 : vector<1x16x768xf32> to vector<16x768xf32>
      %swap3A_53 = vector.shape_cast %add3A : vector<16x768xf32> to vector<1x16x768xf32>
      tpu.vector_store %arg7[%swap3A, %swap3A_49, %swap3A_50], %swap3A_53 {strides = array<i32>} : memref<1x16x768xf32, #tpu.memory_space<vmem>>, vector<1x16x768xf32>,
    } else {
    }
    return
  }
  func.func @transform_0(%arg0: i32, %arg1: i32) -> (i32, i32) {
    %c0_i32 = arith.constant 0 : i32
    %c0_i32_0 = arith.constant 0 : i32
    %c0_i32_1 = arith.constant 0 : i32
    return %c0_i32, %c0_i32_0 : i32, i32
  }
  func.func @transform_1(%arg0: i32, %arg1: i32) -> (i32, i32) {
    %c0_i32 = arith.constant 0 : i32
    %c0_i32_0 = arith.constant 0 : i32
    %c0_i32_1 = arith.constant 0 : i32
    return %c0_i32, %c0_i32_0 : i32, i32
  }
  func.func @transform_2(%arg0: i32, %arg1: i32) -> (i32, i32, i32, i32) {
    %c0_i32 = arith.constant 0 : i32
    %c0_i32_0 = arith.constant 0 : i32
    %c0_i32_1 = arith.constant 0 : i32
    return %arg0, %arg1, %c0_i32, %c0_i32_0 : i32, i32, i32, i32
  }
  func.func @transform_3(%arg0: i32, %arg1: i32) -> (i32, i32, i32) {
    %c0_i32 = arith.constant 0 : i32
    %c0_i32_0 = arith.constant 0 : i32
    return %arg0, %c0_i32, %arg1 : i32, i32, i32
  }
  func.func @transform_4(%arg0: i32, %arg1: i32) -> (i32, i32, i32, i32) {
    %c0_i32 = arith.constant 0 : i32
    %c0_i32_0 = arith.constant 0 : i32
    %c0_i32_1 = arith.constant 0 : i32
    return %arg0, %arg1, %c0_i32, %c0_i32_0 : i32, i32, i32, i32
  }
  func.func @transform_5(%arg0: i32, %arg1: i32) -> (i32, i32, i32) {
    %c0_i32 = arith.constant 0 : i32
    %c0_i32_0 = arith.constant 0 : i32
    %c0_i32_1 = arith.constant 0 : i32
    return %arg0, %c0_i32, %c0_i32_0 : i32, i32, i32
  }
  func.func @transform_6(%arg0: i32, %arg1: i32) -> (i32, i32) {
    %c0_i32 = arith.constant 0 : i32
    %c0_i32_0 = arith.constant 0 : i32
    %c0_i32_1 = arith.constant 0 : i32
    return %c0_i32, %c0_i32_0 : i32, i32
  }
}

module attributes {stable_mosaic.version = 14 : i64} {
  func.func @_combine_body(%arg0: memref<8x16x768xf32, #tpu.memory_space<vmem>>, %arg1: memref<16x16xf32, #tpu.memory_space<vmem>>, %arg2: memref<16x768xf32, #tpu.memory_space<vmem>>) attributes {dimension_semantics = [], scalar_prefetch = 0 : i64, scratch_operands = 0 : i64, tpu.core_type = #tpu.core_type<tc>} {
    %iota3A = tpu.iota {dimensions = array<i32: 1>} : vector<16x16xi32>
    %broadcast_in_dim3A = arith.constant 0.000000e+00 : f32
    %broadcast_in_dim3A_0 = vector.broadcast %broadcast_in_dim3A : f32 to vector<16x768xf32>
    %eq3A = arith.constant 0 : i32
    %eq3A_1 = vector.broadcast %eq3A : i32 to vector<16x16xi32>
    %eq3A_2 = arith.cmpi eq, %iota3A, %eq3A_1 : vector<16x16xi32>
    %get3A = arith.constant 0 : index
    %get3A_3 = arith.constant 0 : index
    %get3A_4 = vector.load %arg1[%get3A, %get3A_3] : memref<16x16xf32, #tpu.memory_space<vmem>>, vector<16x16xf32>
    %jit3A = arith.constant 0.000000e+00 : f32
    %broadcast_in_dim3A_5 = vector.broadcast %jit3A : f32 to vector<16x16xf32>
    %select_n3A = arith.select %eq3A_2, %get3A_4, %broadcast_in_dim3A_5 : vector<16x16xi1>, vector<16x16xf32>
    %reduce_sum3A = arith.constant dense<0.000000e+00> : vector<16xf32>
    %reduce_sum3A_6 = vector.multi_reduction <add>, %select_n3A, %reduce_sum3A [1] : vector<16x16xf32> to vector<16xf32>
    %broadcast_in_dim3A_7 = vector.shape_cast %reduce_sum3A_6 : vector<16xf32> to vector<16x1xf32>
    %get3A_8 = arith.constant 0 : index
    %get3A_9 = arith.constant 0 : index
    %get3A_10 = arith.constant 0 : index
    %get3A_11 = vector.load %arg0[%get3A_8, %get3A_9, %get3A_10] : memref<8x16x768xf32, #tpu.memory_space<vmem>>, vector<1x16x768xf32>
    %get3A_12 = vector.shape_cast %get3A_11 : vector<1x16x768xf32> to vector<16x768xf32>
    %mul3A = vector.broadcast %broadcast_in_dim3A_7 : vector<16x1xf32> to vector<16x768xf32>
    %mul3A_13 = arith.mulf %mul3A, %get3A_12 : vector<16x768xf32>
    %add3A = arith.addf %broadcast_in_dim3A_0, %mul3A_13 : vector<16x768xf32>
    %eq3A_14 = arith.constant 1 : i32
    %eq3A_15 = vector.broadcast %eq3A_14 : i32 to vector<16x16xi32>
    %eq3A_16 = arith.cmpi eq, %iota3A, %eq3A_15 : vector<16x16xi32>
    %get3A_17 = arith.constant 0 : index
    %get3A_18 = arith.constant 0 : index
    %get3A_19 = vector.load %arg1[%get3A_17, %get3A_18] : memref<16x16xf32, #tpu.memory_space<vmem>>, vector<16x16xf32>
    %jit3A_20 = arith.constant 0.000000e+00 : f32
    %broadcast_in_dim3A_21 = vector.broadcast %jit3A_20 : f32 to vector<16x16xf32>
    %select_n3A_22 = arith.select %eq3A_16, %get3A_19, %broadcast_in_dim3A_21 : vector<16x16xi1>, vector<16x16xf32>
    %reduce_sum3A_23 = arith.constant dense<0.000000e+00> : vector<16xf32>
    %reduce_sum3A_24 = vector.multi_reduction <add>, %select_n3A_22, %reduce_sum3A_23 [1] : vector<16x16xf32> to vector<16xf32>
    %broadcast_in_dim3A_25 = vector.shape_cast %reduce_sum3A_24 : vector<16xf32> to vector<16x1xf32>
    %get3A_26 = arith.constant 1 : index
    %get3A_27 = arith.constant 0 : index
    %get3A_28 = arith.constant 0 : index
    %get3A_29 = vector.load %arg0[%get3A_26, %get3A_27, %get3A_28] : memref<8x16x768xf32, #tpu.memory_space<vmem>>, vector<1x16x768xf32>
    %get3A_30 = vector.shape_cast %get3A_29 : vector<1x16x768xf32> to vector<16x768xf32>
    %mul3A_31 = vector.broadcast %broadcast_in_dim3A_25 : vector<16x1xf32> to vector<16x768xf32>
    %mul3A_32 = arith.mulf %mul3A_31, %get3A_30 : vector<16x768xf32>
    %add3A_33 = arith.addf %add3A, %mul3A_32 : vector<16x768xf32>
    %eq3A_34 = arith.constant 2 : i32
    %eq3A_35 = vector.broadcast %eq3A_34 : i32 to vector<16x16xi32>
    %eq3A_36 = arith.cmpi eq, %iota3A, %eq3A_35 : vector<16x16xi32>
    %get3A_37 = arith.constant 0 : index
    %get3A_38 = arith.constant 0 : index
    %get3A_39 = vector.load %arg1[%get3A_37, %get3A_38] : memref<16x16xf32, #tpu.memory_space<vmem>>, vector<16x16xf32>
    %jit3A_40 = arith.constant 0.000000e+00 : f32
    %broadcast_in_dim3A_41 = vector.broadcast %jit3A_40 : f32 to vector<16x16xf32>
    %select_n3A_42 = arith.select %eq3A_36, %get3A_39, %broadcast_in_dim3A_41 : vector<16x16xi1>, vector<16x16xf32>
    %reduce_sum3A_43 = arith.constant dense<0.000000e+00> : vector<16xf32>
    %reduce_sum3A_44 = vector.multi_reduction <add>, %select_n3A_42, %reduce_sum3A_43 [1] : vector<16x16xf32> to vector<16xf32>
    %broadcast_in_dim3A_45 = vector.shape_cast %reduce_sum3A_44 : vector<16xf32> to vector<16x1xf32>
    %get3A_46 = arith.constant 2 : index
    %get3A_47 = arith.constant 0 : index
    %get3A_48 = arith.constant 0 : index
    %get3A_49 = vector.load %arg0[%get3A_46, %get3A_47, %get3A_48] : memref<8x16x768xf32, #tpu.memory_space<vmem>>, vector<1x16x768xf32>
    %get3A_50 = vector.shape_cast %get3A_49 : vector<1x16x768xf32> to vector<16x768xf32>
    %mul3A_51 = vector.broadcast %broadcast_in_dim3A_45 : vector<16x1xf32> to vector<16x768xf32>
    %mul3A_52 = arith.mulf %mul3A_51, %get3A_50 : vector<16x768xf32>
    %add3A_53 = arith.addf %add3A_33, %mul3A_52 : vector<16x768xf32>
    %eq3A_54 = arith.constant 3 : i32
    %eq3A_55 = vector.broadcast %eq3A_54 : i32 to vector<16x16xi32>
    %eq3A_56 = arith.cmpi eq, %iota3A, %eq3A_55 : vector<16x16xi32>
    %get3A_57 = arith.constant 0 : index
    %get3A_58 = arith.constant 0 : index
    %get3A_59 = vector.load %arg1[%get3A_57, %get3A_58] : memref<16x16xf32, #tpu.memory_space<vmem>>, vector<16x16xf32>
    %jit3A_60 = arith.constant 0.000000e+00 : f32
    %broadcast_in_dim3A_61 = vector.broadcast %jit3A_60 : f32 to vector<16x16xf32>
    %select_n3A_62 = arith.select %eq3A_56, %get3A_59, %broadcast_in_dim3A_61 : vector<16x16xi1>, vector<16x16xf32>
    %reduce_sum3A_63 = arith.constant dense<0.000000e+00> : vector<16xf32>
    %reduce_sum3A_64 = vector.multi_reduction <add>, %select_n3A_62, %reduce_sum3A_63 [1] : vector<16x16xf32> to vector<16xf32>
    %broadcast_in_dim3A_65 = vector.shape_cast %reduce_sum3A_64 : vector<16xf32> to vector<16x1xf32>
    %get3A_66 = arith.constant 3 : index
    %get3A_67 = arith.constant 0 : index
    %get3A_68 = arith.constant 0 : index
    %get3A_69 = vector.load %arg0[%get3A_66, %get3A_67, %get3A_68] : memref<8x16x768xf32, #tpu.memory_space<vmem>>, vector<1x16x768xf32>
    %get3A_70 = vector.shape_cast %get3A_69 : vector<1x16x768xf32> to vector<16x768xf32>
    %mul3A_71 = vector.broadcast %broadcast_in_dim3A_65 : vector<16x1xf32> to vector<16x768xf32>
    %mul3A_72 = arith.mulf %mul3A_71, %get3A_70 : vector<16x768xf32>
    %add3A_73 = arith.addf %add3A_53, %mul3A_72 : vector<16x768xf32>
    %eq3A_74 = arith.constant 4 : i32
    %eq3A_75 = vector.broadcast %eq3A_74 : i32 to vector<16x16xi32>
    %eq3A_76 = arith.cmpi eq, %iota3A, %eq3A_75 : vector<16x16xi32>
    %get3A_77 = arith.constant 0 : index
    %get3A_78 = arith.constant 0 : index
    %get3A_79 = vector.load %arg1[%get3A_77, %get3A_78] : memref<16x16xf32, #tpu.memory_space<vmem>>, vector<16x16xf32>
    %jit3A_80 = arith.constant 0.000000e+00 : f32
    %broadcast_in_dim3A_81 = vector.broadcast %jit3A_80 : f32 to vector<16x16xf32>
    %select_n3A_82 = arith.select %eq3A_76, %get3A_79, %broadcast_in_dim3A_81 : vector<16x16xi1>, vector<16x16xf32>
    %reduce_sum3A_83 = arith.constant dense<0.000000e+00> : vector<16xf32>
    %reduce_sum3A_84 = vector.multi_reduction <add>, %select_n3A_82, %reduce_sum3A_83 [1] : vector<16x16xf32> to vector<16xf32>
    %broadcast_in_dim3A_85 = vector.shape_cast %reduce_sum3A_84 : vector<16xf32> to vector<16x1xf32>
    %get3A_86 = arith.constant 4 : index
    %get3A_87 = arith.constant 0 : index
    %get3A_88 = arith.constant 0 : index
    %get3A_89 = vector.load %arg0[%get3A_86, %get3A_87, %get3A_88] : memref<8x16x768xf32, #tpu.memory_space<vmem>>, vector<1x16x768xf32>
    %get3A_90 = vector.shape_cast %get3A_89 : vector<1x16x768xf32> to vector<16x768xf32>
    %mul3A_91 = vector.broadcast %broadcast_in_dim3A_85 : vector<16x1xf32> to vector<16x768xf32>
    %mul3A_92 = arith.mulf %mul3A_91, %get3A_90 : vector<16x768xf32>
    %add3A_93 = arith.addf %add3A_73, %mul3A_92 : vector<16x768xf32>
    %eq3A_94 = arith.constant 5 : i32
    %eq3A_95 = vector.broadcast %eq3A_94 : i32 to vector<16x16xi32>
    %eq3A_96 = arith.cmpi eq, %iota3A, %eq3A_95 : vector<16x16xi32>
    %get3A_97 = arith.constant 0 : index
    %get3A_98 = arith.constant 0 : index
    %get3A_99 = vector.load %arg1[%get3A_97, %get3A_98] : memref<16x16xf32, #tpu.memory_space<vmem>>, vector<16x16xf32>
    %jit3A_100 = arith.constant 0.000000e+00 : f32
    %broadcast_in_dim3A_101 = vector.broadcast %jit3A_100 : f32 to vector<16x16xf32>
    %select_n3A_102 = arith.select %eq3A_96, %get3A_99, %broadcast_in_dim3A_101 : vector<16x16xi1>, vector<16x16xf32>
    %reduce_sum3A_103 = arith.constant dense<0.000000e+00> : vector<16xf32>
    %reduce_sum3A_104 = vector.multi_reduction <add>, %select_n3A_102, %reduce_sum3A_103 [1] : vector<16x16xf32> to vector<16xf32>
    %broadcast_in_dim3A_105 = vector.shape_cast %reduce_sum3A_104 : vector<16xf32> to vector<16x1xf32>
    %get3A_106 = arith.constant 5 : index
    %get3A_107 = arith.constant 0 : index
    %get3A_108 = arith.constant 0 : index
    %get3A_109 = vector.load %arg0[%get3A_106, %get3A_107, %get3A_108] : memref<8x16x768xf32, #tpu.memory_space<vmem>>, vector<1x16x768xf32>
    %get3A_110 = vector.shape_cast %get3A_109 : vector<1x16x768xf32> to vector<16x768xf32>
    %mul3A_111 = vector.broadcast %broadcast_in_dim3A_105 : vector<16x1xf32> to vector<16x768xf32>
    %mul3A_112 = arith.mulf %mul3A_111, %get3A_110 : vector<16x768xf32>
    %add3A_113 = arith.addf %add3A_93, %mul3A_112 : vector<16x768xf32>
    %eq3A_114 = arith.constant 6 : i32
    %eq3A_115 = vector.broadcast %eq3A_114 : i32 to vector<16x16xi32>
    %eq3A_116 = arith.cmpi eq, %iota3A, %eq3A_115 : vector<16x16xi32>
    %get3A_117 = arith.constant 0 : index
    %get3A_118 = arith.constant 0 : index
    %get3A_119 = vector.load %arg1[%get3A_117, %get3A_118] : memref<16x16xf32, #tpu.memory_space<vmem>>, vector<16x16xf32>
    %jit3A_120 = arith.constant 0.000000e+00 : f32
    %broadcast_in_dim3A_121 = vector.broadcast %jit3A_120 : f32 to vector<16x16xf32>
    %select_n3A_122 = arith.select %eq3A_116, %get3A_119, %broadcast_in_dim3A_121 : vector<16x16xi1>, vector<16x16xf32>
    %reduce_sum3A_123 = arith.constant dense<0.000000e+00> : vector<16xf32>
    %reduce_sum3A_124 = vector.multi_reduction <add>, %select_n3A_122, %reduce_sum3A_123 [1] : vector<16x16xf32> to vector<16xf32>
    %broadcast_in_dim3A_125 = vector.shape_cast %reduce_sum3A_124 : vector<16xf32> to vector<16x1xf32>
    %get3A_126 = arith.constant 6 : index
    %get3A_127 = arith.constant 0 : index
    %get3A_128 = arith.constant 0 : index
    %get3A_129 = vector.load %arg0[%get3A_126, %get3A_127, %get3A_128] : memref<8x16x768xf32, #tpu.memory_space<vmem>>, vector<1x16x768xf32>
    %get3A_130 = vector.shape_cast %get3A_129 : vector<1x16x768xf32> to vector<16x768xf32>
    %mul3A_131 = vector.broadcast %broadcast_in_dim3A_125 : vector<16x1xf32> to vector<16x768xf32>
    %mul3A_132 = arith.mulf %mul3A_131, %get3A_130 : vector<16x768xf32>
    %add3A_133 = arith.addf %add3A_113, %mul3A_132 : vector<16x768xf32>
    %eq3A_134 = arith.constant 7 : i32
    %eq3A_135 = vector.broadcast %eq3A_134 : i32 to vector<16x16xi32>
    %eq3A_136 = arith.cmpi eq, %iota3A, %eq3A_135 : vector<16x16xi32>
    %get3A_137 = arith.constant 0 : index
    %get3A_138 = arith.constant 0 : index
    %get3A_139 = vector.load %arg1[%get3A_137, %get3A_138] : memref<16x16xf32, #tpu.memory_space<vmem>>, vector<16x16xf32>
    %jit3A_140 = arith.constant 0.000000e+00 : f32
    %broadcast_in_dim3A_141 = vector.broadcast %jit3A_140 : f32 to vector<16x16xf32>
    %select_n3A_142 = arith.select %eq3A_136, %get3A_139, %broadcast_in_dim3A_141 : vector<16x16xi1>, vector<16x16xf32>
    %reduce_sum3A_143 = arith.constant dense<0.000000e+00> : vector<16xf32>
    %reduce_sum3A_144 = vector.multi_reduction <add>, %select_n3A_142, %reduce_sum3A_143 [1] : vector<16x16xf32> to vector<16xf32>
    %broadcast_in_dim3A_145 = vector.shape_cast %reduce_sum3A_144 : vector<16xf32> to vector<16x1xf32>
    %get3A_146 = arith.constant 7 : index
    %get3A_147 = arith.constant 0 : index
    %get3A_148 = arith.constant 0 : index
    %get3A_149 = vector.load %arg0[%get3A_146, %get3A_147, %get3A_148] : memref<8x16x768xf32, #tpu.memory_space<vmem>>, vector<1x16x768xf32>
    %get3A_150 = vector.shape_cast %get3A_149 : vector<1x16x768xf32> to vector<16x768xf32>
    %mul3A_151 = vector.broadcast %broadcast_in_dim3A_145 : vector<16x1xf32> to vector<16x768xf32>
    %mul3A_152 = arith.mulf %mul3A_151, %get3A_150 : vector<16x768xf32>
    %add3A_153 = arith.addf %add3A_133, %mul3A_152 : vector<16x768xf32>
    %swap3A = arith.constant 0 : index
    %swap3A_154 = arith.constant 0 : index
    %swap3A_155 = vector.load %arg2[%swap3A, %swap3A_154] : memref<16x768xf32, #tpu.memory_space<vmem>>, vector<16x768xf32>
    tpu.vector_store %arg2[%swap3A, %swap3A_154], %add3A_153 {strides = array<i32>} : memref<16x768xf32, #tpu.memory_space<vmem>>, vector<16x768xf32>,
    return
  }
}

</mosaic_0001>

<sc_bundles>
// kernel: kernel.5.cloned.1.call-start
scs
__scs_entry_jumppad:
0x0: {  	(pc) =	sbr.rel $0x88, $3  }
0x1: {  	(tag) =	ssettag $0x0;
	lr =	simm.s32 $0x1  }
0x2: {  	[smem:$0x3F9C] =	sst lr;
	_ =	strace $0xD0000000  }
0x3: {  	_ = 	snop  }
0x4: {  	_ = 	snop  }
0x5: {  	_ = 	snop  }
0x6: {  	_ = 	snop  }
0x7: {  	_ = 	snop  }
__scs_overlays_trampoline_lowered:
0x8: {  	[smem:$0x3FAB] =	sst s0  }
0x9: {  	[smem:$0x3FAC] =	sst s1  }
0xa: {  	[smem:$0x3FAD] =	sst s2  }
0xb: {  	[smem:$0x3FAE] =	sst s3  }
0xc: {  	[smem:$0x3FAF] =	sst s4  }
0xd: {  	[smem:$0x3FB0] =	sst s5  }
0xe: {  	[smem:$0x3FB1] =	sst s6  }
0xf: {  	[smem:$0x3FB2] =	sst s7  }
0x10: {  	[smem:$0x3FB3] =	sst s8  }
0x11: {  	[smem:$0x3FB4] =	sst s9;
	s0 =	simm.s32 @!p0 $0x0  }
0x12: {  	s1 =	sld [smem:$0x3F9A];
	s0 =	simm.s32 @p0 $0x1  }
0x13: {  	[smem:$0x3FB5] =	sst s0;
	s0 =	simm.s32 @!p1 $0x0  }
0x14: {  	s2 =	sld [smem:$0x3F99];
	s0 =	simm.s32 @p1 $0x1  }
0x15: {  	[smem:$0x3FB6] =	sst s0;
	s0 =	simm.s32 @!p2 $0x0  }
0x16: {  	s3 =	sld [smem:$0x3FDB];
	s0 =	simm.s32 @p2 $0x1  }
0x17: {  	s4 =	simm.s32 $0x1BF5;
	[smem:$0x3FB8] =	sst s0  }
0x18: {  	s0 =	sld [smem:$0x3F9B];
	_ =	swait.ge [sflag:s4], $0x0  }
0x19: {  	s7 =	sld [smem:$0x3F9C]  }
0x1a: {  	s8 =	sadd.s32 $0xFFFFE003, lr  }
0x1b: {  	s9 =	sadd.s32 $0xFFFFFEF7, lr;
	s5 =	simm.s32 $0xFFFFFFFF;
	p2 =	slt.u32 s8, $0xFFFFF086  }
0x1c: {  	p1 =	slt.u32 s9, $0xF7A;
	s5 =	simm.s32 @!p2 $0x0  }
0x1d: {  	s5 =	simm.s32 @p1 $0x1;
	p0 =	seq.s32 s7, s2  }
0x1e: {  	s7 =	smul.u32 @!p0 $0xF7A, s2;
	p2 =	seq.s32 @!p0 s5, $0x0  }
0x1f: {  	s9 =	smul.u32 $0xF7A, s1;
	s8 =	simm.s32 @!p0 $0x1BF5;
	p2 =	por !p2, p0  }
0x20: {  	[sflag:s8] =	ssyncset.s32 @!p0 $0xFFFFF086;
	s6 =	sadd.s32 @!p0 s3, s7;
	s7 =	simm.s32 @!p0 $0x108  }
0x21: {  	s3 =	sadd.s32 s3, s9;
	s6 =	sadd.s32 @!p0 $0x88, s6;
	s7 =	simm.s32 @p2 $0x1082  }
0x22: {  	[simem:s7], [sflag:s8] =	dma.local @!p0 [hbm:s6], $0xF7A  }
0x23: {  	s9 =	sor.u32 $0xD0000000, s2;
	s6 =	simm.s32 $0x108;
	_ =	swait.ge @!p0 [sflag:s8], $0x0  }
0x24: {  	s3 =	sadd.s32 $0x88, s3;
	s6 =	simm.s32 @!p1 $0x1082;
	[sflag:s4] =	ssyncset.s32 $0xFFFFF086  }
0x25: {  	[simem:s6], [sflag:s4] =	dma.local [hbm:s3], $0xF7A  }
0x26: {  	[smem:$0x3F9C] =	sst s1;
	(tag) =	ssettag s2;
	_ =	strace s9  }
0x27: {  	s1 =	sld [smem:$0x3FAC]  }
0x28: {  	s2 =	sld [smem:$0x3FAD]  }
0x29: {  	s4 =	sld [smem:$0x3FAF]  }
0x2a: {  	p0 =	seq.s32 s5, $0x0;
	s5 =	sld [smem:$0x3FB0]  }
0x2b: {  	s6 =	sld [smem:$0x3FB1]  }
0x2c: {  	s7 =	sld [smem:$0x3FB2]  }
0x2d: {  	s3 =	simm.s32 $0x108;
	s8 =	sld [smem:$0x3FB3]  }
0x2e: {  	s3 =	simm.s32 @!p0 $0x1082;
	s9 =	sld [smem:$0x3FB4]  }
0x2f: {  	lr =	sadd.s32 s0, s3;
	s0 =	sld [smem:$0x3FAB]  }
0x30: {  	s3 =	sld [smem:$0x3FAE]  }
0x31: {  	[smem:$0x3FB7] =	sst s10  }
0x32: {  	s10 =	sld [smem:$0x3FB5];
	_ =	sdelay $0x3  }
0x33: {  	p0 =	seq.s32 s10, $0x1;
	s10 =	sld [smem:$0x3FB7];
	_ =	sdelay $0x3  }
0x34: {  	[smem:$0x3FB7] =	sst s10  }
0x35: {  	s10 =	sld [smem:$0x3FB6];
	_ =	sdelay $0x3  }
0x36: {  	p1 =	seq.s32 s10, $0x1;
	s10 =	sld [smem:$0x3FB7];
	_ =	sdelay $0x3  }
0x37: {  	[smem:$0x3FB7] =	sst s10  }
0x38: {  	s10 =	sld [smem:$0x3FB8]  }
0x39: {  	_ = 	snop;
	(pc) =	sbr.ind lr, $3  }
0x3a: {  	_ = 	snop  }
0x3b: {  	_ = 	snop  }
0x3c: {  	p2 =	seq.s32 s10, $0x1;
	s10 =	sld [smem:$0x3FB7]  }
0x3d: {  	_ =	shalt  }
0x3e: {  	_ =	shalt  }
0x3f: {  	_ =	shalt  }
0x40: {  	_ =	shalt  }
0x41: {  	_ =	shalt  }
0x42: {  	_ =	shalt  }
0x43: {  	_ =	shalt  }
0x44: {  	_ =	shalt  }
0x45: {  	_ =	shalt  }
0x46: {  	_ =	shalt  }
0x47: {  	_ =	shalt  }
0x48: {  	_ =	shalt  }
0x49: {  	_ =	shalt  }
0x4a: {  	_ =	shalt  }
0x4b: {  	_ =	shalt  }
0x4c: {  	_ =	shalt  }
0x4d: {  	_ =	shalt  }
0x4e: {  	_ =	shalt  }
0x4f: {  	_ =	shalt  }
0x50: {  	_ =	shalt  }
0x51: {  	_ =	shalt  }
0x52: {  	_ =	shalt  }
0x53: {  	_ =	shalt  }
0x54: {  	_ =	shalt  }
0x55: {  	_ =	shalt  }
0x56: {  	_ =	shalt  }
0x57: {  	_ =	shalt  }
0x58: {  	_ =	shalt  }
0x59: {  	_ =	shalt  }
0x5a: {  	_ =	shalt  }
0x5b: {  	_ =	shalt  }
0x5c: {  	_ =	shalt  }
0x5d: {  	_ =	shalt  }
0x5e: {  	_ =	shalt  }
0x5f: {  	_ =	shalt  }
0x60: {  	_ =	shalt  }
0x61: {  	_ =	shalt  }
0x62: {  	_ =	shalt  }
0x63: {  	_ =	shalt  }
0x64: {  	_ =	shalt  }
0x65: {  	_ =	shalt  }
0x66: {  	_ =	shalt  }
0x67: {  	_ =	shalt  }
0x68: {  	_ =	shalt  }
0x69: {  	_ =	shalt  }
0x6a: {  	_ =	shalt  }
0x6b: {  	_ =	shalt  }
0x6c: {  	_ =	shalt  }
0x6d: {  	_ =	shalt  }
0x6e: {  	_ =	shalt  }
0x6f: {  	_ =	shalt  }
0x70: {  	_ =	shalt  }
0x71: {  	_ =	shalt  }
0x72: {  	_ =	shalt  }
0x73: {  	_ =	shalt  }
0x74: {  	_ =	shalt  }
0x75: {  	_ =	shalt  }
0x76: {  	_ =	shalt  }
0x77: {  	_ =	shalt  }
0x78: {  	_ =	shalt  }
0x79: {  	_ =	shalt  }
0x7a: {  	_ =	shalt  }
0x7b: {  	_ =	shalt  }
0x7c: {  	_ =	shalt  }
0x7d: {  	_ =	shalt  }
0x7e: {  	_ =	shalt  }
0x7f: {  	_ =	shalt  }
0x80: {  	_ =	shalt  }
0x81: {  	_ =	shalt  }
0x82: {  	_ =	shalt  }
0x83: {  	_ =	shalt  }
0x84: {  	_ =	shalt  }
0x85: {  	_ =	shalt  }
0x86: {  	_ =	shalt  }
0x87: {  	_ =	shalt  }
.Lfunc_end0:
.L_simem_size_0:
called_computation_lowered:
.L_overlay_start_0:
0x88: {  	s0 =	sld [smem:$0x3FD9]  }
0x89: {  	s1 =	sld [smem:$0x3FFE];
	_ =	sdelay $0x3  }
0x8a: {  	s0 =	sadd.s32 s1, s0  }
0x8b: {  	[smem:$0x3FC3] =	sst s0  }
0x8c: {  	_ = 	snop  }
0x8d: {  	s0 =	sld [smem:$0x3FD0];
	(tm) =	ssettm $0x1  }
0x8e: {  	s16 =	sld [smem:$0x3FFB];
	_ =	sdelay $0x3  }
0x8f: {  	_ =	strace s16  }
0x90: {  	s1 =	sld [smem:$0x3FFC];
	_ =	sdelay $0x3  }
0x91: {  	_ =	strace s1  }
0x92: {  	s1 =	sld [smem:$0x3FFD];
	_ =	sdelay $0x3  }
0x93: {  	_ =	strace s1  }
0x94: {  	_ =	strace $0x8FFFFFFF  }
0x95: {  	s17 =	sld [smem:$0x3FDB];
	_ =	sdelay $0x1  }
0x96: {  	s2 =	simm.s32 $_scs_section_size  }
0x97: {  	s3 =	simm.s32 $_size__tile_overlayer_lowered;
	s4 =	simm.s32 $_tile_overlayer_lowered  }
0x98: {  	s20 =	simm.s32 $0x1BFF;
	s19 =	sshll.u32 s4, $0x1;
	s1 =	sadd.s32 s2, s17  }
0x99: {  	s5 =	simm.s32 $0x0;
	s18 =	sshll.u32 s3, $0x1;
	s3 =	sadd.s32 s19, s1  }
0x9a: {  	[timem:s5], [sflag:s20] =	dma.local [hbm:s3], s18  }
0x9b: {  	_ =	swait.ge [sflag:s20], s18  }
0x9c: {  	s2 =	ssub.s32 $0x0, s18;
	[sflag:s20] =	ssyncset.done $0x0  }
0x9d: {  	[sflag:s20] =	ssyncadd.s32 s2;
	_ =	sdelay $0x1  }
0x9e: {  	s21 =	simm.s32 $0x1B8B  }
0x9f: {  	_ =	swait.ge [sflag:s21], $0x1  }
0xa0: {  	[sflag:s21] =	ssyncset.done $0x0  }
0xa1: {  	s23 =	simm.s32 $0x1B8E;
	s22 =	sld [smem:$0x3FFE];
	[sflag:s21] =	ssyncadd.s32 $0xFFFFFFFF  }
0xa2: {  	s24 =	simm.s32 $execute0_lowered;
	[smem:$0x3FD2] =	sst s23  }
0xa3: {  	s3 =	sshll.u32 s24, $0x1;
	_ =	strace $0x80000046;
	[dreg:$0x1] =	wrdreg $0xFFFFFFFF  }
0xa4: {  	s25 =	simm.s32 $_size_execute0_lowered;
	s1 =	sadd.s32 s1, s3;
	[dreg:$0x0] =	wrdreg $0x0  }
0xa5: {  	s3 =	sshll.u32 s25, $0x1;
	[dreg:$0x2] =	wrdreg s1  }
0xa6: {  	[dreg:$0x3] =	wrdreg s3  }
0xa7: {  	[dreg:$0x4] =	wrdreg $0xC0  }
0xa8: {  	_ =	task [dreg:s5], $0x5FFFF  }
0xa9: {  	[dreg:$0x1] =	wrdreg $0xFFFFFFFF  }
0xaa: {  	[dreg:$0x0] =	wrdreg $0x60  }
0xab: {  	[dreg:$0x2] =	wrdreg s0  }
0xac: {  	[dreg:$0x3] =	wrdreg s22  }
0xad: {  	[dreg:$0x4] =	wrdreg $0x9  }
0xae: {  	_ =	task.clear_ibuf [dreg:s5], $0x5FFFF;
	_ =	strace $0x90000046  }
0xaf: {  	s26 =	simm.s32 $0x9;
	_ =	strace $0x80000048  }
0xb0: {  	_ =	swait.ge [sflag:s26], $0x1  }
0xb1: {  	[sflag:s26] =	ssyncadd.s32 $0xFFFFFFFF  }
0xb2: {  	_ =	strace $0x90000048  }
0xb3: {  	_ =	sfence  }
0xb4: {  	s28 =	sld [smem:$0x0];
	_ =	sdelay $0x1  }
0xb5: {  	s29 =	srdreg.scid  }
0xb6: {  	s30 =	sshll.u32 s29, $0xD;
	s31 =	sshrl.u32 s29, $0x2  }
0xb7: {  	s2 =	sand.u32 $0x4000, s30;
	s1 =	sand.u32 $0x1, s29;
	s0 =	sadd.s32 s31, s28  }
0xb8: {  	s1 =	sor.u32 s2, s1;
	s0 =	sshll.u32 s0, $0x11  }
0xb9: {  	s0 =	sor.u32 s0, s1  }
0xba: {  	s0 =	sadd.s32 $0x8F2B, s0  }
0xbb: {  	[sflag:s0] =	ssyncadd.remote.s32 $0x1  }
0xbc: {  	_ =	sfence.sel $0xFFFF  }
0xbd: {  	[dreg:$0x0] =	wrdreg $0xFFFFFFFF;
	(pc) =	sbr.abs _section_cstart, $3  }
0xbe: {  	[dreg:$0x1] =	wrdreg $0xFFFFFFFF  }
0xbf: {  	_ =	task.clear_ibuf [dreg:s5], $0x2FFFF;
	_ =	strace $0x9FFFFFFF  }
0xc0: {  	(tm) =	ssettm $0x7FFFFFFF  }
0xc1: {  	_ =	shalt  }
tec
execute0_lowered:
.L_overlay_start_1:
0x0: {  	(tag) =	ssettag $0x1  }
0x1: {  	s4 =	rddreg [dreg:$0x0]  }
0x2: {  	s3 =	rddreg [dreg:$0x1]  }
0x3: {  	s0 =	rddreg [dreg:$0x2];
	s2 =	simm.s32 $0x0;
	s1 =	stileid.u32  }
0x4: {  	[smem:$0x7FF] =	sst s2;
	s5 =	sshll.u32 s1, $0x4  }
0x5: {  	s30 =	simm.s32 $0x1;
	_ =	strace $0x80000047;
	s4 =	sadd.s32 s4, s5  }
0x6: {  	[tilespmem:s2], [sflag:$0x1] =	stream.linear.gather [hbm4b:s4+s2], $0x80, $0x38;
	[tilespmem:$0x100] =	vst v63  }
0x7: {  	_ =	swait.ge [sflag:s30], $0x80  }
0x8: {  	[sflag:s30] =	ssyncset.done $0x0  }
0x9: {  	[sflag:s30] =	ssyncadd.s32 $0xFFFFFF80  }
0xa: {  	v0 =	vld [tilespmem:$0x0];
	_ =	sdelay $0x1  }
0xb: {  	vm0 =	vcmask $0x1F00;
	v1 =	vimm.s32 $0xFEDCBA98  }
0xc: {  	v2 =	vimm.f32 $0.0e+00;
	v3 =	vimm.s32 $0x76543210;
	v6 =	vimm.f32 $-3.000000010e+38  }
0xd: {  	v45 =	vimm.s32 $0xBA98FEDC;
	v1 =	vunpack.c.l.s4.s8 v1;
	v4 =	vsel vm0, $0x3F800000, v2  }
0xe: {  	v47 =	vimm.s32 $0x32107654;
	v3 =	vunpack.c.l.s4.s8 v3;
	v5 =	vmul.f32 v4, v0  }
0xf: {  	v6 =	vsel vm0, $0x0, v6;
	v46 =	vunpack.c.l.s4.s8 v45;
	v1 =	vunpack.c.0.s8.s32 v1  }
0x10: {  	v3 =	vunpack.c.0.s8.s32 v3;
	v5 =	vadd.f32 v6, v5;
	v6 =	vunpack.c.l.s4.s8 v47  }
0x11: {  	v8 =	vimm.s32 $0xDCFE98BA;
	v9 =	vimm.s32 $0x54761032;
	v1 =	vand.u32 $0xF, v1  }
0x12: {  	v1 =	vcombine.low v1, v3;
	v3 =	vunpack.c.0.s8.s32 v46;
	v6 =	vunpack.c.0.s8.s32 v6  }
0x13: {  	v50 =	vimm.s32 $0xEFCDAB89;
	v8 =	vunpack.c.l.s4.s8 v8;
	v9 =	vunpack.c.l.s4.s8 v9  }
0x14: {  	v51 =	vimm.s32 $0x67452301;
	v7 =	vperm.xlane v5, v1;
	v3 =	vcombine.low v6, v3  }
0x15: {  	v48 =	vunpack.c.0.s8.s32 v8;
	v49 =	vunpack.c.0.s8.s32 v9;
	v8 =	vunpack.c.l.s4.s8 v50  }
0x16: {  	v9 =	vunpack.c.l.s4.s8 v51;
	v5 =	vmax.f32 v5, v7;
	v3 =	vand.u32 $0xF, v3  }
0x17: {  	v6 =	vcombine.low v49, v48;
	v52 =	vperm.xlane v5, v3  }
0x18: {  	v8 =	vunpack.c.0.s8.s32 v8;
	v9 =	vunpack.c.0.s8.s32 v9  }
0x19: {  	v6 =	vand.u32 $0xF, v6;
	v5 =	vmax.f32 v5, v52  }
0x1a: {  	v8 =	vcombine.low v9, v8;
	v7 =	vperm.xlane v5, v6;
	_ =	sdelay $0x1  }
0x1b: {  	v53 =	vand.u32 $0xF, v8;
	v5 =	vmax.f32 v5, v7  }
0x1c: {  	v8 =	vperm.xlane v5, v53;
	_ =	sdelay $0x1  }
0x1d: {  	v5 =	vmax.f32 v5, v8  }
0x1e: {  	v0 =	vsub.f32 v0, v5;
	_ =	sdelay $0x1  }
0x1f: {  	v54 =	vimm.f32 $-3.000000000e+01;
	v0 =	vmul.f32 v4, v0  }
0x20: {  	v5 =	vsel vm0, $0x80000000, v54  }
0x21: {  	v0 =	vadd.f32 v5, v0;
	_ =	sdelay $0x1  }
0x22: {  	v0 =	vmul.f32 $1.442695020e+00, v0;
	_ =	sdelay $0x1  }
0x23: {  	(erf) = vpow2.f32 v0;
	_ =	sdelay $0x8  }
0x24: {  	v0 =	vpop (erf)  }
0x25: {  	v0 =	vmul.f32 v4, v0;
	_ =	sdelay $0x1  }
0x26: {  	v55 =	vperm.xlane v0, v1;
	_ =	sdelay $0x1  }
0x27: {  	v5 =	vadd.f32 v0, v55;
	_ =	sdelay $0x1  }
0x28: {  	v56 =	vperm.xlane v5, v3;
	_ =	sdelay $0x1  }
0x29: {  	v5 =	vadd.f32 v5, v56;
	_ =	sdelay $0x1  }
0x2a: {  	v8 =	vperm.xlane v5, v6;
	_ =	sdelay $0x1  }
0x2b: {  	v5 =	vadd.f32 v5, v8;
	_ =	sdelay $0x1  }
0x2c: {  	v8 =	vperm.xlane v5, v53;
	_ =	sdelay $0x1  }
0x2d: {  	v5 =	vadd.f32 v5, v8;
	_ =	sdelay $0x1  }
0x2e: {  	(erf) = vrcp.f32 v5;
	_ =	sdelay $0x8  }
0x2f: {  	v5 =	vpop (erf)  }
0x30: {  	v0 =	vmul.f32 v5, v0;
	_ =	sdelay $0x1  }
0x31: {  	v5 =	vperm.xlane v0, v1;
	_ =	sdelay $0x1  }
0x32: {  	v5 =	vmax.f32 v0, v5  }
0x33: {  	v57 =	vperm.xlane v5, v3;
	_ =	sdelay $0x1  }
0x34: {  	v5 =	vmax.f32 v5, v57  }
0x35: {  	v8 =	vperm.xlane v5, v6;
	_ =	sdelay $0x1  }
0x36: {  	v5 =	vmax.f32 v5, v8  }
0x37: {  	v8 =	vperm.xlane v5, v53;
	_ =	sdelay $0x1  }
0x38: {  	v5 =	vmax.f32 v5, v8  }
0x39: {  	v58 =	vlaneseq.u32;
	vm14 =	veq.f32 v0, v5  }
0x3a: {  	v59 =	vnsel vm14, $0x8, v58  }
0x3b: {  	v60 =	vperm.xlane v59, v1;
	_ =	sdelay $0x1  }
0x3c: {  	vm0 =	vlt.s32 v59, v60  }
0x3d: {  	v8 =	vsel vm0, v59, v60  }
0x3e: {  	v9 =	vperm.xlane v8, v3;
	_ =	sdelay $0x1  }
0x3f: {  	vm0 =	vlt.s32 v8, v9  }
0x40: {  	v8 =	vsel vm0, v8, v9  }
0x41: {  	v9 =	vperm.xlane v8, v6;
	_ =	sdelay $0x1  }
0x42: {  	vm0 =	vlt.s32 v8, v9  }
0x43: {  	v8 =	vsel vm0, v8, v9  }
0x44: {  	v9 =	vperm.xlane v8, v53;
	_ =	sdelay $0x1  }
0x45: {  	vm0 =	vlt.s32 v8, v9  }
0x46: {  	v8 =	vsel vm0, v8, v9  }
0x47: {  	vm0 =	veq.s32 v8, v58  }
0x48: {  	v8 =	vsel vm0, $0x3F800000, v2  }
0x49: {  	v61 =	vsub.f32 $1.000000000e+00, v8;
	_ =	sdelay $0x1  }
0x4a: {  	v4 =	vmul.f32 v4, v61;
	_ =	sdelay $0x1  }
0x4b: {  	v9 =	vmul.f32 v4, v0;
	v4 =	vsub.f32 $1.000000000e+00, v4;
	_ =	sdelay $0x1  }
0x4c: {  	v4 =	vsub.f32 v9, v4;
	_ =	sdelay $0x1  }
0x4d: {  	v9 =	vperm.xlane v4, v1;
	_ =	sdelay $0x1  }
0x4e: {  	v9 =	vmax.f32 v4, v9  }
0x4f: {  	v10 =	vperm.xlane v9, v3;
	_ =	sdelay $0x1  }
0x50: {  	v9 =	vmax.f32 v9, v10  }
0x51: {  	v10 =	vperm.xlane v9, v6;
	_ =	sdelay $0x1  }
0x52: {  	v9 =	vmax.f32 v9, v10  }
0x53: {  	v10 =	vperm.xlane v9, v53;
	_ =	sdelay $0x1  }
0x54: {  	v9 =	vmax.f32 v9, v10  }
0x55: {  	vm15 =	veq.f32 v4, v9  }
0x56: {  	v4 =	vnsel vm15, $0x8, v58  }
0x57: {  	v62 =	vperm.xlane v4, v1;
	_ =	sdelay $0x1  }
0x58: {  	vm0 =	vlt.s32 v4, v62  }
0x59: {  	v4 =	vsel vm0, v4, v62  }
0x5a: {  	v9 =	vperm.xlane v4, v3;
	_ =	sdelay $0x1  }
0x5b: {  	vm0 =	vlt.s32 v4, v9  }
0x5c: {  	v4 =	vsel vm0, v4, v9  }
0x5d: {  	v9 =	vperm.xlane v4, v6;
	_ =	sdelay $0x1  }
0x5e: {  	vm0 =	vlt.s32 v4, v9  }
0x5f: {  	v4 =	vsel vm0, v4, v9  }
0x60: {  	v9 =	vperm.xlane v4, v53;
	_ =	sdelay $0x1  }
0x61: {  	vm0 =	vlt.s32 v4, v9  }
0x62: {  	v4 =	vsel vm0, v4, v9  }
0x63: {  	vm0 =	veq.s32 v4, v58  }
0x64: {  	v2 =	vsel vm0, $0x3F800000, v2  }
0x65: {  	v2 =	vadd.f32 v2, v8;
	_ =	sdelay $0x1  }
0x66: {  	v0 =	vmul.f32 v2, v0;
	_ =	sdelay $0x1  }
0x67: {  	v1 =	vperm.xlane v0, v1;
	_ =	sdelay $0x1  }
0x68: {  	v1 =	vadd.f32 v0, v1;
	_ =	sdelay $0x1  }
0x69: {  	v63 =	vperm.xlane v1, v3;
	_ =	sdelay $0x1  }
0x6a: {  	v1 =	vadd.f32 v1, v63;
	_ =	sdelay $0x1  }
0x6b: {  	v2 =	vperm.xlane v1, v6;
	_ =	sdelay $0x1  }
0x6c: {  	v1 =	vadd.f32 v1, v2;
	_ =	sdelay $0x1  }
0x6d: {  	v2 =	vperm.xlane v1, v53;
	_ =	sdelay $0x1  }
0x6e: {  	v1 =	vadd.f32 v1, v2;
	_ =	sdelay $0x1  }
0x6f: {  	(erf) = vrcp.f32 v1;
	_ =	sdelay $0x8  }
0x70: {  	v1 =	vpop (erf)  }
0x71: {  	v0 =	vmul.f32 v1, v0  }
0x72: {  	s3 =	sadd.s32 s5, s3  }
0x73: {  	s31 =	simm.s32 $0x80;
	s3 =	sadd.s32 $0xC00, s3;
	[tilespmem:$0x80] =	vst v0  }
0x74: {  	[hbm4b:s3+s2] =	stream.linear.scatter [tilespmem:s31], [sflag:$0x1], $0x80, $0x38;
	[tilespmem:$0x100] =	vst v63  }
0x75: {  	_ =	swait.ge [sflag:s30], $0x80  }
0x76: {  	[sflag:s30] =	ssyncset.done $0x0  }
0x77: {  	[sflag:s30] =	ssyncadd.s32 $0xFFFFFF80  }
0x78: {  	_ =	sfence.sel $0x180000  }
0x79: {  	[bflag:$0x0] =	sbarrier.arrive $0xFFFF  }
0x7a: {  	p0 =	sne.s32 s1, $0x0;
	_ =	strace $0x90000047  }
0x7b: {  	s0 =	sadd.s32 @!p0 $0x100000, s0;
	[bflag:$0x2] =	sbarrier.arrive $0xFFFF  }
0x7c: {  	[sflag:s0] =	ssyncadd.tile.s32 @!p0 $0x1;
	_ =	shalt  }
.Lfunc_end2:
_tile_overlayer_lowered:
.L_overlay_start_2:
0x7d: {  	(tag) =	ssettag $0x2  }
0x7e: {  	s0 =	rddreg [dreg:$0x0];
	s2 =	stileid.u32  }
0x7f: {  	s1 =	rddreg [dreg:$0x1];
	p0 =	sne.s32 s2, $0x0  }
0x80: {  	s3 =	rddreg [dreg:$0x2];
	[bflag:$0x3] =	sbarrier.arrive $0xFFFF;
	s2 =	simm.s32 @!p0 $0x1C01  }
0x81: {  	[timem:s3], [sflag:s2] =	dma.local @!p0 [hbm:s0], s1  }
0x82: {  	s0 =	simm.s32 @!p0 $0x1  }
0x83: {  	_ =	swait.ge @!p0 [sflag:s0], s1  }
0x84: {  	s1 =	ssub.s32 @!p0 $0x0, s1;
	[sflag:s0] =	ssyncset.done @!p0 $0x0  }
0x85: {  	[sflag:s0] =	ssyncadd.s32 @!p0 s1  }
0x86: {  	[bflag:$0x3] =	sbarrier.arrive $0xFFFF  }
0x87: {  	_ =	shalt  }

</sc_bundles>
